<compile_context>
chip_gen: v7x
topology: tpu7x:2x2x1
jax: 0.10.2.dev20260603
libtpu: 0.0.44.dev20260713+nightly
codegen_flags: <defaults>
</compile_context>

<pallas_src>
import functools

import jax
import jax.numpy as jnp
from jax import lax
from jax.experimental import pallas as pl
from jax.experimental.pallas import tpu as pltpu
from jax.experimental.pallas import tpu_sc as plsc

_BSC = 64
_TCB = 200


def _precompute_body(idx_ref, tok_ref, pos_ref, w_ref, b_ref,
                     e_ref, ebf_ref, p_ref, pexp_ref, pt_ref, idx3_ref):
    dn = (((1,), (1,)), ((), ()))
    e = lax.dot_general(tok_ref[...], w_ref[...], dn,
                        preferred_element_type=jnp.float32)
    e_ref[...] = e
    ebf_ref[...] = e.astype(jnp.bfloat16)
    p = lax.dot_general(pos_ref[...], w_ref[...], dn,
                        preferred_element_type=jnp.float32) + b_ref[...]
    p_ref[...] = p
    T, V = p.shape
    reps = _TCB // T
    pexp_ref[...] = jnp.concatenate([p] * reps, axis=0)
    rem = V - 16 * (V // 16)
    pt_ref[...] = jnp.concatenate(
        [jnp.zeros((T, 16 - rem), jnp.float32), p[:, V - rem:]], axis=1)
    HT = T // 2
    idx = idx_ref[...]
    zeros7 = jnp.zeros((_BSC, 32 - HT), jnp.int32)
    idx3_ref[0, :, :] = jnp.concatenate([idx[:_BSC, :HT], zeros7], axis=1)
    idx3_ref[1, :, :] = jnp.concatenate([idx[:_BSC, HT:], zeros7], axis=1)


def _precompute(indices, tok_table, pos_t, W, b2d):
    V, _ = W.shape
    T = pos_t.shape[0]
    return pl.pallas_call(
        _precompute_body,
        out_shape=[
            jax.ShapeDtypeStruct((V, V), jnp.float32),
            jax.ShapeDtypeStruct((V, V), jnp.bfloat16),
            jax.ShapeDtypeStruct((T, V), jnp.float32),
            jax.ShapeDtypeStruct((_TCB, V), jnp.float32),
            jax.ShapeDtypeStruct((T, 16), jnp.float32),
            jax.ShapeDtypeStruct((2, _BSC, 32), jnp.int32),
        ],
    )(indices, tok_table, pos_t, W, b2d)


def _make_sc_gather(V, T):
    info = plsc.get_sparse_core_info()
    NC, NS = info.num_cores, info.num_subcores
    HT = T // 2
    CP = 32
    BW = _BSC // (NC * NS // 2)
    NCH = BW
    n_lane = V // 16

    mesh = plsc.VectorSubcoreMesh(core_axis_name="c", subcore_axis_name="s")

    @functools.partial(
        pl.kernel,
        mesh=mesh,
        out_type=jax.ShapeDtypeStruct((_BSC * T, V), jnp.float32),
        scratch_types=[
            pltpu.VMEM((NCH, CP), jnp.int32),
            pltpu.VMEM((CP, V), jnp.float32),
            pltpu.VMEM((HT, V), jnp.float32),
            pltpu.VMEM((HT, 16), jnp.float32),
            pltpu.SemaphoreType.DMA,
            pltpu.SemaphoreType.DMA,
        ],
        compiler_params=pltpu.CompilerParams(use_tc_tiling_on_sc=False),
    )
    def gather_kernel(idx_hbm, e_hbm, p_hbm, pt_hbm, out_hbm,
                      idx_v, buf0, p_v, pt_v, g0, s0):
        wid = lax.axis_index("s") * NC + lax.axis_index("c")
        wb = wid // 2
        wt = wid % 2
        pltpu.sync_copy(idx_hbm.at[wt, pl.ds(wb * BW, BW), :], idx_v)
        pltpu.sync_copy(p_hbm.at[pl.ds(wt * HT, HT), :], p_v)
        pltpu.sync_copy(pt_hbm.at[pl.ds(wt * HT, HT), :], pt_v)

        def gather(j):
            return pltpu.make_async_copy(
                e_hbm.at[idx_v.at[j, :]], buf0, g0)

        def scatter(j):
            row0 = (wb * BW + j) * T + wt * HT
            return pltpu.make_async_copy(
                buf0.at[pl.ds(0, HT), :],
                out_hbm.at[pl.ds(row0, HT), :], s0)

        def add_p(buf):
            @plsc.parallel_loop(0, HT, unroll=2)
            def _(i):
                for j in range(n_lane):
                    sl = pl.ds(j * 16, 16)
                    buf[i, sl] = buf[i, sl] + p_v[i, sl]
                sl = pl.ds(V - 16, 16)
                buf[i, sl] = buf[i, sl] + pt_v[i, :]

        def body(k, carry):
            gather(k).start()
            gather(k).wait()
            add_p(buf0)
            scatter(k).start()
            scatter(k).wait()
            return carry

        lax.fori_loop(0, NCH, body, 0)

    return gather_kernel


def _onehot_body(idx_ref, ebf_ref, pexp_ref, out_ref):
    idxv = idx_ref[0]
    V = ebf_ref.shape[0]
    iot = lax.broadcasted_iota(jnp.int32, (V, _TCB), 0)
    oht = (iot == idxv).astype(jnp.bfloat16)
    out_ref[...] = lax.dot_general(
        oht, ebf_ref[...], (((0,), (0,)), ((), ())),
        preferred_element_type=jnp.float32) + pexp_ref[...]


def _tc_onehot(idx2d, Ebf, Pexp, BT, V):
    n_sc_blocks = _BSC * 50 // _TCB
    n_blocks = BT // _TCB - n_sc_blocks
    return pl.pallas_call(
        _onehot_body,
        grid=(n_blocks,),
        in_specs=[
            pl.BlockSpec((1, 1, _TCB), lambda g: (g + n_sc_blocks, 0, 0)),
            pl.BlockSpec((V, V), lambda g: (0, 0)),
            pl.BlockSpec((_TCB, V), lambda g: (0, 0)),
        ],
        out_specs=pl.BlockSpec((_TCB, V), lambda g: (g + n_sc_blocks, 0)),
        out_shape=jax.ShapeDtypeStruct((BT, V), jnp.float32),
    )(idx2d, Ebf, Pexp)


def kernel(indices, tok_table, pos_table, W, b):
    Bsz, T = indices.shape
    V = W.shape[0]
    BT = Bsz * T

    idx32 = indices.astype(jnp.int32)
    E, Ebf, P, Pexp, PT, IDX3 = _precompute(idx32, tok_table,
                                            pos_table[:T], W,
                                            b.reshape(1, V))
    sc_out = _make_sc_gather(V, T)(IDX3, E, P, PT)
    idx2d = idx32.reshape(BT // _TCB, 1, _TCB)
    tc_out = _tc_onehot(idx2d, Ebf, Pexp, BT, V)
    out = lax.dynamic_update_slice(tc_out, sc_out, (0, 0))
    return out.reshape(Bsz, T, V)

# --- scband reference (transcript-rebuilt; emitter-appended) ---
"""Pipeline reference for scband-gpt-v3-7017976562240 (READ-ONLY COPY).

The authoritative reference and input builder live on the scoring server;
editing this copy changes nothing except your own understanding.
"""

import jax, jax.numpy as jnp
import numpy as np

VOCAB = 1000
N_EMBD = 128
BLOCK = 200
B = 1024
T = 50


def setup_inputs(seed: int = 0) -> dict:
    key = jax.random.key(seed)
    k1, k2, k3, k4 = jax.random.split(key, 4)
    indices = jax.random.randint(k1, (B, T), 0, VOCAB, dtype=jnp.int64 if jax.config.jax_enable_x64 else jnp.int32)
    tok_table = jax.random.normal(k2, (VOCAB, N_EMBD), dtype=jnp.float32) * 0.02
    pos_table = jax.random.normal(k3, (BLOCK, N_EMBD), dtype=jnp.float32) * 0.02
    W = jax.random.normal(k4, (VOCAB, N_EMBD), dtype=jnp.float32) * 0.02
    b = jnp.zeros((VOCAB,), dtype=jnp.float32)
    return {"indices": indices, "tok_table": tok_table, "pos_table": pos_table, "W": W, "b": b}


def reference(indices, tok_table, pos_table, W, b):
    Bsz, Tlen = indices.shape
    # token embedding lookup (gather)
    tok_emb = jnp.take(tok_table, indices, axis=0)  # [B, T, n_embd]
    # positional embedding lookup (gather), broadcast over batch
    pos_idx = jnp.arange(Tlen)
    pos_emb = jnp.take(pos_table, pos_idx, axis=0)[None, :, :]  # [1, T, n_embd]
    x = tok_emb + pos_emb  # [B, T, n_embd]
    # lm_head: Linear(n_embd -> vocab)
    logits = jnp.einsum('btd,vd->btv', x, W) + b  # [B, T, vocab]
    return logits

if __name__ == "__main__":
    import jax
    _d = setup_inputs()
    print(jax.jit(kernel)(*tuple(_d.values())))

</pallas_src>

<mosaic_0001>
#map = affine_map<(d0, d1) -> (0, 0, 0)>
#map1 = affine_map<(d0, d1) -> (0, 0)>
module attributes {stable_mosaic.version = 14 : i64} {
  func.func @gather_kernel(%arg0: i32, %arg1: i32, %arg2: memref<2x64x32xi32, #tpu.memory_space<hbm>>, %arg3: memref<1000x1000xf32, #tpu.memory_space<hbm>>, %arg4: memref<50x1000xf32, #tpu.memory_space<hbm>>, %arg5: memref<50x16xf32, #tpu.memory_space<hbm>>, %arg6: memref<3200x1000xf32, #tpu.memory_space<hbm>>, %arg7: memref<4x32xi32, #tpu.memory_space<vmem>>, %arg8: memref<32x1000xf32, #tpu.memory_space<vmem>>, %arg9: memref<25x1000xf32, #tpu.memory_space<vmem>>, %arg10: memref<25x16xf32, #tpu.memory_space<vmem>>, %arg11: memref<!tpu.dma_semaphore, #tpu.memory_space<semaphore_mem>>, %arg12: memref<!tpu.dma_semaphore, #tpu.memory_space<semaphore_mem>>) attributes {dimension_semantics = [#tpu.dimension_semantics<core_parallel>, #tpu.dimension_semantics<subcore_parallel>], iteration_bounds = array<i64: 2, 16>, scalar_prefetch = 0 : i64, scratch_operands = 6 : i64, tpu.core_type = #tpu.core_type<sc_vector_subcore>, window_params = [{transform_indices = #map}, {transform_indices = #map1}, {transform_indices = #map1}, {transform_indices = #map1}, {transform_indices = #map1}]} {
    %mul3A = arith.constant 2 : i32
    %mul3A_0 = arith.muli %arg1, %mul3A : i32
    %add3A = arith.addi %mul3A_0, %arg0 : i32
    %jit3A = arith.constant 2 : i32
    %div3A = arith.divsi %add3A, %jit3A : i32
    %sign3A = arith.constant 0 : i32
    %sign3A_1 = arith.cmpi sgt, %add3A, %sign3A : i32
    %sign3A_2 = arith.extui %sign3A_1 : i1 to i32
    %sign3A_3 = arith.constant 0 : i32
    %sign3A_4 = arith.cmpi slt, %add3A, %sign3A_3 : i32
    %sign3A_5 = arith.extui %sign3A_4 : i1 to i32
    %sign3A_6 = arith.subi %sign3A_2, %sign3A_5 : i32
    %sign3A_7 = arith.constant 0 : i32
    %sign3A_8 = arith.cmpi sgt, %jit3A, %sign3A_7 : i32
    %sign3A_9 = arith.extui %sign3A_8 : i1 to i32
    %sign3A_10 = arith.constant 0 : i32
    %sign3A_11 = arith.cmpi slt, %jit3A, %sign3A_10 : i32
    %sign3A_12 = arith.extui %sign3A_11 : i1 to i32
    %sign3A_13 = arith.subi %sign3A_9, %sign3A_12 : i32
    %ne3A = arith.cmpi ne, %sign3A_6, %sign3A_13 : i32
    %rem3A = arith.remsi %add3A, %jit3A : i32
    %ne3A_14 = arith.constant 0 : i32
    %ne3A_15 = arith.cmpi ne, %rem3A, %ne3A_14 : i32
    %and3A = arith.andi %ne3A, %ne3A_15 : i1
    %sub3A = arith.constant 1 : i32
    %sub3A_16 = arith.subi %div3A, %sub3A : i32
    %select_n3A = arith.select %and3A, %sub3A_16, %div3A : i32
    %jit3A_17 = arith.constant 2 : i32
    %eq3A = arith.constant 0 : i32
    %eq3A_18 = arith.cmpi eq, %jit3A_17, %eq3A : i32
    %jit3A_19 = arith.constant 1 : i32
    %select_n3A_20 = arith.select %eq3A_18, %jit3A_19, %jit3A_17 : i32
    %rem3A_21 = arith.remsi %add3A, %select_n3A_20 : i32
    %ne3A_22 = arith.constant 0 : i32
    %ne3A_23 = arith.cmpi ne, %rem3A_21, %ne3A_22 : i32
    %lt3A = arith.constant 0 : i32
    %lt3A_24 = arith.cmpi slt, %rem3A_21, %lt3A : i32
    %lt3A_25 = arith.constant 0 : i32
    %lt3A_26 = arith.cmpi slt, %select_n3A_20, %lt3A_25 : i32
    %ne3A_27 = arith.xori %lt3A_24, %lt3A_26 : i1
    %and3A_28 = arith.andi %ne3A_27, %ne3A_23 : i1
    %add3A_29 = arith.addi %rem3A_21, %select_n3A_20 : i32
    %select_n3A_30 = arith.select %and3A_28, %add3A_29, %rem3A_21 : i32
    %mul3A_31 = arith.constant 4 : i32
    %mul3A_32 = arith.muli %select_n3A, %mul3A_31 : i32
    "tpu.region"() ({
      %run_scoped3A = tpu.sem_alloc : memref<!tpu.dma_semaphore, #tpu.memory_space<semaphore_mem>>
      %dma_start3A = arith.constant 0 : i32
      %dma_start3A_42 = tpu.memref_slice %arg2[%select_n3A_30, %mul3A_32, %dma_start3A] : memref<2x64x32xi32, #tpu.memory_space<hbm>> -> memref<1x4x32xi32, #tpu.memory_space<hbm>>
      %dma_start3A_43 = tpu.memref_squeeze %dma_start3A_42 : memref<1x4x32xi32, #tpu.memory_space<hbm>> -> memref<4x32xi32, #tpu.memory_space<hbm>>
      %dma_start3A_44 = arith.constant 0 : i32
      %dma_start3A_45 = tpu.memref_slice %arg2[%select_n3A_30, %mul3A_32, %dma_start3A_44] : memref<2x64x32xi32, #tpu.memory_space<hbm>> -> memref<1x4x32xi32, #tpu.memory_space<hbm>>
      %dma_start3A_46 = tpu.memref_squeeze %dma_start3A_45 : memref<1x4x32xi32, #tpu.memory_space<hbm>> -> memref<4x32xi32, #tpu.memory_space<hbm>>
      tpu.enqueue_dma source(%dma_start3A_46 : memref<4x32xi32, #tpu.memory_space<hbm>>) target(%arg7 : memref<4x32xi32, #tpu.memory_space<vmem>>) target_semaphore(%run_scoped3A : memref<!tpu.dma_semaphore, #tpu.memory_space<semaphore_mem>>)
      %dma_wait3A = arith.constant 0 : i32
      %dma_wait3A_47 = tpu.memref_slice %arg2[%select_n3A_30, %mul3A_32, %dma_wait3A] : memref<2x64x32xi32, #tpu.memory_space<hbm>> -> memref<1x4x32xi32, #tpu.memory_space<hbm>>
      %dma_wait3A_48 = tpu.memref_squeeze %dma_wait3A_47 : memref<1x4x32xi32, #tpu.memory_space<hbm>> -> memref<4x32xi32, #tpu.memory_space<hbm>>
      %dma_wait3A_49 = arith.constant 0 : i32
      %dma_wait3A_50 = tpu.memref_slice %arg2[%select_n3A_30, %mul3A_32, %dma_wait3A_49] : memref<2x64x32xi32, #tpu.memory_space<hbm>> -> memref<1x4x32xi32, #tpu.memory_space<hbm>>
      %dma_wait3A_51 = tpu.memref_squeeze %dma_wait3A_50 : memref<1x4x32xi32, #tpu.memory_space<hbm>> -> memref<4x32xi32, #tpu.memory_space<hbm>>
      tpu.wait_dma2 semaphore(%run_scoped3A : memref<!tpu.dma_semaphore, #tpu.memory_space<semaphore_mem>>) src(%dma_wait3A_51 : memref<4x32xi32, #tpu.memory_space<hbm>>) dst(%arg7 : memref<4x32xi32, #tpu.memory_space<vmem>>)
      tpu.yield
    }) : () -> ()
    %mul3A_33 = arith.constant 25 : i32
    %mul3A_34 = arith.muli %select_n3A_30, %mul3A_33 : i32
    "tpu.region"() ({
      %run_scoped3A = tpu.sem_alloc : memref<!tpu.dma_semaphore, #tpu.memory_space<semaphore_mem>>
      %dma_start3A = arith.constant 0 : i32
      %dma_start3A_42 = tpu.memref_slice %arg4[%mul3A_34, %dma_start3A] : memref<50x1000xf32, #tpu.memory_space<hbm>> -> memref<25x1000xf32, #tpu.memory_space<hbm>>
      %dma_start3A_43 = arith.constant 0 : i32
      %dma_start3A_44 = tpu.memref_slice %arg4[%mul3A_34, %dma_start3A_43] : memref<50x1000xf32, #tpu.memory_space<hbm>> -> memref<25x1000xf32, #tpu.memory_space<hbm>>
      tpu.enqueue_dma source(%dma_start3A_44 : memref<25x1000xf32, #tpu.memory_space<hbm>>) target(%arg9 : memref<25x1000xf32, #tpu.memory_space<vmem>>) target_semaphore(%run_scoped3A : memref<!tpu.dma_semaphore, #tpu.memory_space<semaphore_mem>>)
      %dma_wait3A = arith.constant 0 : i32
      %dma_wait3A_45 = tpu.memref_slice %arg4[%mul3A_34, %dma_wait3A] : memref<50x1000xf32, #tpu.memory_space<hbm>> -> memref<25x1000xf32, #tpu.memory_space<hbm>>
      %dma_wait3A_46 = arith.constant 0 : i32
      %dma_wait3A_47 = tpu.memref_slice %arg4[%mul3A_34, %dma_wait3A_46] : memref<50x1000xf32, #tpu.memory_space<hbm>> -> memref<25x1000xf32, #tpu.memory_space<hbm>>
      tpu.wait_dma2 semaphore(%run_scoped3A : memref<!tpu.dma_semaphore, #tpu.memory_space<semaphore_mem>>) src(%dma_wait3A_47 : memref<25x1000xf32, #tpu.memory_space<hbm>>) dst(%arg9 : memref<25x1000xf32, #tpu.memory_space<vmem>>)
      tpu.yield
    }) : () -> ()
    %mul3A_35 = arith.constant 25 : i32
    %mul3A_36 = arith.muli %select_n3A_30, %mul3A_35 : i32
    "tpu.region"() ({
      %run_scoped3A = tpu.sem_alloc : memref<!tpu.dma_semaphore, #tpu.memory_space<semaphore_mem>>
      %dma_start3A = arith.constant 0 : i32
      %dma_start3A_42 = tpu.memref_slice %arg5[%mul3A_36, %dma_start3A] : memref<50x16xf32, #tpu.memory_space<hbm>> -> memref<25x16xf32, #tpu.memory_space<hbm>>
      %dma_start3A_43 = arith.constant 0 : i32
      %dma_start3A_44 = tpu.memref_slice %arg5[%mul3A_36, %dma_start3A_43] : memref<50x16xf32, #tpu.memory_space<hbm>> -> memref<25x16xf32, #tpu.memory_space<hbm>>
      tpu.enqueue_dma source(%dma_start3A_44 : memref<25x16xf32, #tpu.memory_space<hbm>>) target(%arg10 : memref<25x16xf32, #tpu.memory_space<vmem>>) target_semaphore(%run_scoped3A : memref<!tpu.dma_semaphore, #tpu.memory_space<semaphore_mem>>)
      %dma_wait3A = arith.constant 0 : i32
      %dma_wait3A_45 = tpu.memref_slice %arg5[%mul3A_36, %dma_wait3A] : memref<50x16xf32, #tpu.memory_space<hbm>> -> memref<25x16xf32, #tpu.memory_space<hbm>>
      %dma_wait3A_46 = arith.constant 0 : i32
      %dma_wait3A_47 = tpu.memref_slice %arg5[%mul3A_36, %dma_wait3A_46] : memref<50x16xf32, #tpu.memory_space<hbm>> -> memref<25x16xf32, #tpu.memory_space<hbm>>
      tpu.wait_dma2 semaphore(%run_scoped3A : memref<!tpu.dma_semaphore, #tpu.memory_space<semaphore_mem>>) src(%dma_wait3A_47 : memref<25x16xf32, #tpu.memory_space<hbm>>) dst(%arg10 : memref<25x16xf32, #tpu.memory_space<vmem>>)
      tpu.yield
    }) : () -> ()
    %scan3A = arith.constant 0 : i32
    %scan3A_37 = arith.constant 0 : i32
    %scan3A_38 = arith.constant 4 : i32
    %scan3A_39 = arith.addi %scan3A_37, %scan3A_38 : i32
    %scan3A_40 = arith.constant 1 : i32
    scf.for %scan3A_42 = %scan3A_37 to %scan3A_39 step %scan3A_40  : i32 {
      %dma_start3A = arith.constant 0 : i32
      %dma_start3A_43 = tpu.memref_slice %arg7[%scan3A_42, %dma_start3A] : memref<4x32xi32, #tpu.memory_space<vmem>> -> memref<1x32xi32, #tpu.memory_space<vmem>>
      %dma_start3A_44 = tpu.memref_squeeze %dma_start3A_43 : memref<1x32xi32, #tpu.memory_space<vmem>> -> memref<32xi32, #tpu.memory_space<vmem>>
      %dma_start3A_45 = arith.constant 0 : i32
      %dma_start3A_46 = arith.constant 0 : i32
      %dma_start3A_47 = tpu.memref_slice %arg3[%dma_start3A_45, %dma_start3A_46] : memref<1000x1000xf32, #tpu.memory_space<hbm>> -> memref<1000x1000xf32, #tpu.memory_space<hbm>>
      tpu.enqueue_indirect_dma source(%dma_start3A_47 : memref<1000x1000xf32, #tpu.memory_space<hbm>>) target(%arg8 : memref<32x1000xf32, #tpu.memory_space<vmem>>) offsets(%dma_start3A_44 : memref<32xi32, #tpu.memory_space<vmem>>) semaphore(%arg11 : memref<!tpu.dma_semaphore, #tpu.memory_space<semaphore_mem>>)
      %dma_wait3A = arith.constant 0 : i32
      %dma_wait3A_48 = tpu.memref_slice %arg7[%scan3A_42, %dma_wait3A] : memref<4x32xi32, #tpu.memory_space<vmem>> -> memref<1x32xi32, #tpu.memory_space<vmem>>
      %dma_wait3A_49 = tpu.memref_squeeze %dma_wait3A_48 : memref<1x32xi32, #tpu.memory_space<vmem>> -> memref<32xi32, #tpu.memory_space<vmem>>
      %dma_wait3A_50 = arith.constant 0 : i32
      %dma_wait3A_51 = arith.constant 0 : i32
      %dma_wait3A_52 = tpu.memref_slice %arg3[%dma_wait3A_50, %dma_wait3A_51] : memref<1000x1000xf32, #tpu.memory_space<hbm>> -> memref<1000x1000xf32, #tpu.memory_space<hbm>>
      tpu.wait_indirect_dma semaphore(%arg11 : memref<!tpu.dma_semaphore, #tpu.memory_space<semaphore_mem>>) src(%dma_wait3A_52 : memref<1000x1000xf32, #tpu.memory_space<hbm>>) dst(%arg8 : memref<32x1000xf32, #tpu.memory_space<vmem>>)
      %parallel_loop3A = arith.constant 0 : i32
      %parallel_loop3A_53 = arith.constant 25 : i32
      %parallel_loop3A_54 = arith.constant 1 : i32
      scf.for %parallel_loop3A_91 = %parallel_loop3A to %parallel_loop3A_53 step %parallel_loop3A_54  : i32 {
        %parallel_loop3A_92 = arith.index_cast %parallel_loop3A_91 : i32 to index
        %parallel_loop3A_93 = arith.constant 0 : index
        %parallel_loop3A_94 = tpu.vector_load %arg8[%parallel_loop3A_92, %parallel_loop3A_93] {strides = array<i32>} : memref<32x1000xf32, #tpu.memory_space<vmem>>, vector<1x16xf32>,
        %parallel_loop3A_95 = vector.shape_cast %parallel_loop3A_94 : vector<1x16xf32> to vector<16xf32>
        %parallel_loop3A_96 = arith.index_cast %parallel_loop3A_91 : i32 to index
        %parallel_loop3A_97 = arith.constant 0 : index
        %parallel_loop3A_98 = tpu.vector_load %arg9[%parallel_loop3A_96, %parallel_loop3A_97] {strides = array<i32>} : memref<25x1000xf32, #tpu.memory_space<vmem>>, vector<1x16xf32>,
        %parallel_loop3A_99 = vector.shape_cast %parallel_loop3A_98 : vector<1x16xf32> to vector<16xf32>
        %parallel_loop3A_100 = arith.addf %parallel_loop3A_95, %parallel_loop3A_99 : vector<16xf32>
        %parallel_loop3A_101 = arith.index_cast %parallel_loop3A_91 : i32 to index
        %parallel_loop3A_102 = arith.constant 0 : index
        %parallel_loop3A_103 = tpu.vector_load %arg8[%parallel_loop3A_101, %parallel_loop3A_102] {strides = array<i32>} : memref<32x1000xf32, #tpu.memory_space<vmem>>, vector<1x16xf32>,
        %parallel_loop3A_104 = vector.shape_cast %parallel_loop3A_103 : vector<1x16xf32> to vector<16xf32>
        %parallel_loop3A_105 = vector.shape_cast %parallel_loop3A_100 : vector<16xf32> to vector<1x16xf32>
        tpu.vector_store %arg8[%parallel_loop3A_101, %parallel_loop3A_102], %parallel_loop3A_105 {strides = array<i32>} : memref<32x1000xf32, #tpu.memory_space<vmem>>, vector<1x16xf32>,
        %parallel_loop3A_106 = arith.index_cast %parallel_loop3A_91 : i32 to index
        %parallel_loop3A_107 = arith.constant 16 : index
        %parallel_loop3A_108 = tpu.vector_load %arg8[%parallel_loop3A_106, %parallel_loop3A_107] {strides = array<i32>} : memref<32x1000xf32, #tpu.memory_space<vmem>>, vector<1x16xf32>,
        %parallel_loop3A_109 = vector.shape_cast %parallel_loop3A_108 : vector<1x16xf32> to vector<16xf32>
        %parallel_loop3A_110 = arith.index_cast %parallel_loop3A_91 : i32 to index
        %parallel_loop3A_111 = arith.constant 16 : index
        %parallel_loop3A_112 = tpu.vector_load %arg9[%parallel_loop3A_110, %parallel_loop3A_111] {strides = array<i32>} : memref<25x1000xf32, #tpu.memory_space<vmem>>, vector<1x16xf32>,
        %parallel_loop3A_113 = vector.shape_cast %parallel_loop3A_112 : vector<1x16xf32> to vector<16xf32>
        %parallel_loop3A_114 = arith.addf %parallel_loop3A_109, %parallel_loop3A_113 : vector<16xf32>
        %parallel_loop3A_115 = arith.index_cast %parallel_loop3A_91 : i32 to index
        %parallel_loop3A_116 = arith.constant 16 : index
        %parallel_loop3A_117 = tpu.vector_load %arg8[%parallel_loop3A_115, %parallel_loop3A_116] {strides = array<i32>} : memref<32x1000xf32, #tpu.memory_space<vmem>>, vector<1x16xf32>,
        %parallel_loop3A_118 = vector.shape_cast %parallel_loop3A_117 : vector<1x16xf32> to vector<16xf32>
        %parallel_loop3A_119 = vector.shape_cast %parallel_loop3A_114 : vector<16xf32> to vector<1x16xf32>
        tpu.vector_store %arg8[%parallel_loop3A_115, %parallel_loop3A_116], %parallel_loop3A_119 {strides = array<i32>} : memref<32x1000xf32, #tpu.memory_space<vmem>>, vector<1x16xf32>,
        %parallel_loop3A_120 = arith.index_cast %parallel_loop3A_91 : i32 to index
        %parallel_loop3A_121 = arith.constant 32 : index
        %parallel_loop3A_122 = tpu.vector_load %arg8[%parallel_loop3A_120, %parallel_loop3A_121] {strides = array<i32>} : memref<32x1000xf32, #tpu.memory_space<vmem>>, vector<1x16xf32>,
        %parallel_loop3A_123 = vector.shape_cast %parallel_loop3A_122 : vector<1x16xf32> to vector<16xf32>
        %parallel_loop3A_124 = arith.index_cast %parallel_loop3A_91 : i32 to index
        %parallel_loop3A_125 = arith.constant 32 : index
        %parallel_loop3A_126 = tpu.vector_load %arg9[%parallel_loop3A_124, %parallel_loop3A_125] {strides = array<i32>} : memref<25x1000xf32, #tpu.memory_space<vmem>>, vector<1x16xf32>,
        %parallel_loop3A_127 = vector.shape_cast %parallel_loop3A_126 : vector<1x16xf32> to vector<16xf32>
        %parallel_loop3A_128 = arith.addf %parallel_loop3A_123, %parallel_loop3A_127 : vector<16xf32>
        %parallel_loop3A_129 = arith.index_cast %parallel_loop3A_91 : i32 to index
        %parallel_loop3A_130 = arith.constant 32 : index
        %parallel_loop3A_131 = tpu.vector_load %arg8[%parallel_loop3A_129, %parallel_loop3A_130] {strides = array<i32>} : memref<32x1000xf32, #tpu.memory_space<vmem>>, vector<1x16xf32>,
        %parallel_loop3A_132 = vector.shape_cast %parallel_loop3A_131 : vector<1x16xf32> to vector<16xf32>
        %parallel_loop3A_133 = vector.shape_cast %parallel_loop3A_128 : vector<16xf32> to vector<1x16xf32>
        tpu.vector_store %arg8[%parallel_loop3A_129, %parallel_loop3A_130], %parallel_loop3A_133 {strides = array<i32>} : memref<32x1000xf32, #tpu.memory_space<vmem>>, vector<1x16xf32>,
        %parallel_loop3A_134 = arith.index_cast %parallel_loop3A_91 : i32 to index
        %parallel_loop3A_135 = arith.constant 48 : index
        %parallel_loop3A_136 = tpu.vector_load %arg8[%parallel_loop3A_134, %parallel_loop3A_135] {strides = array<i32>} : memref<32x1000xf32, #tpu.memory_space<vmem>>, vector<1x16xf32>,
        %parallel_loop3A_137 = vector.shape_cast %parallel_loop3A_136 : vector<1x16xf32> to vector<16xf32>
        %parallel_loop3A_138 = arith.index_cast %parallel_loop3A_91 : i32 to index
        %parallel_loop3A_139 = arith.constant 48 : index
        %parallel_loop3A_140 = tpu.vector_load %arg9[%parallel_loop3A_138, %parallel_loop3A_139] {strides = array<i32>} : memref<25x1000xf32, #tpu.memory_space<vmem>>, vector<1x16xf32>,
        %parallel_loop3A_141 = vector.shape_cast %parallel_loop3A_140 : vector<1x16xf32> to vector<16xf32>
        %parallel_loop3A_142 = arith.addf %parallel_loop3A_137, %parallel_loop3A_141 : vector<16xf32>
        %parallel_loop3A_143 = arith.index_cast %parallel_loop3A_91 : i32 to index
        %parallel_loop3A_144 = arith.constant 48 : index
        %parallel_loop3A_145 = tpu.vector_load %arg8[%parallel_loop3A_143, %parallel_loop3A_144] {strides = array<i32>} : memref<32x1000xf32, #tpu.memory_space<vmem>>, vector<1x16xf32>,
        %parallel_loop3A_146 = vector.shape_cast %parallel_loop3A_145 : vector<1x16xf32> to vector<16xf32>
        %parallel_loop3A_147 = vector.shape_cast %parallel_loop3A_142 : vector<16xf32> to vector<1x16xf32>
        tpu.vector_store %arg8[%parallel_loop3A_143, %parallel_loop3A_144], %parallel_loop3A_147 {strides = array<i32>} : memref<32x1000xf32, #tpu.memory_space<vmem>>, vector<1x16xf32>,
        %parallel_loop3A_148 = arith.index_cast %parallel_loop3A_91 : i32 to index
        %parallel_loop3A_149 = arith.constant 64 : index
        %parallel_loop3A_150 = tpu.vector_load %arg8[%parallel_loop3A_148, %parallel_loop3A_149] {strides = array<i32>} : memref<32x1000xf32, #tpu.memory_space<vmem>>, vector<1x16xf32>,
        %parallel_loop3A_151 = vector.shape_cast %parallel_loop3A_150 : vector<1x16xf32> to vector<16xf32>
        %parallel_loop3A_152 = arith.index_cast %parallel_loop3A_91 : i32 to index
        %parallel_loop3A_153 = arith.constant 64 : index
        %parallel_loop3A_154 = tpu.vector_load %arg9[%parallel_loop3A_152, %parallel_loop3A_153] {strides = array<i32>} : memref<25x1000xf32, #tpu.memory_space<vmem>>, vector<1x16xf32>,
        %parallel_loop3A_155 = vector.shape_cast %parallel_loop3A_154 : vector<1x16xf32> to vector<16xf32>
        %parallel_loop3A_156 = arith.addf %parallel_loop3A_151, %parallel_loop3A_155 : vector<16xf32>
        %parallel_loop3A_157 = arith.index_cast %parallel_loop3A_91 : i32 to index
        %parallel_loop3A_158 = arith.constant 64 : index
        %parallel_loop3A_159 = tpu.vector_load %arg8[%parallel_loop3A_157, %parallel_loop3A_158] {strides = array<i32>} : memref<32x1000xf32, #tpu.memory_space<vmem>>, vector<1x16xf32>,
        %parallel_loop3A_160 = vector.shape_cast %parallel_loop3A_159 : vector<1x16xf32> to vector<16xf32>
        %parallel_loop3A_161 = vector.shape_cast %parallel_loop3A_156 : vector<16xf32> to vector<1x16xf32>
        tpu.vector_store %arg8[%parallel_loop3A_157, %parallel_loop3A_158], %parallel_loop3A_161 {strides = array<i32>} : memref<32x1000xf32, #tpu.memory_space<vmem>>, vector<1x16xf32>,
        %parallel_loop3A_162 = arith.index_cast %parallel_loop3A_91 : i32 to index
        %parallel_loop3A_163 = arith.constant 80 : index
        %parallel_loop3A_164 = tpu.vector_load %arg8[%parallel_loop3A_162, %parallel_loop3A_163] {strides = array<i32>} : memref<32x1000xf32, #tpu.memory_space<vmem>>, vector<1x16xf32>,
        %parallel_loop3A_165 = vector.shape_cast %parallel_loop3A_164 : vector<1x16xf32> to vector<16xf32>
        %parallel_loop3A_166 = arith.index_cast %parallel_loop3A_91 : i32 to index
        %parallel_loop3A_167 = arith.constant 80 : index
        %parallel_loop3A_168 = tpu.vector_load %arg9[%parallel_loop3A_166, %parallel_loop3A_167] {strides = array<i32>} : memref<25x1000xf32, #tpu.memory_space<vmem>>, vector<1x16xf32>,
        %parallel_loop3A_169 = vector.shape_cast %parallel_loop3A_168 : vector<1x16xf32> to vector<16xf32>
        %parallel_loop3A_170 = arith.addf %parallel_loop3A_165, %parallel_loop3A_169 : vector<16xf32>
        %parallel_loop3A_171 = arith.index_cast %parallel_loop3A_91 : i32 to index
        %parallel_loop3A_172 = arith.constant 80 : index
        %parallel_loop3A_173 = tpu.vector_load %arg8[%parallel_loop3A_171, %parallel_loop3A_172] {strides = array<i32>} : memref<32x1000xf32, #tpu.memory_space<vmem>>, vector<1x16xf32>,
        %parallel_loop3A_174 = vector.shape_cast %parallel_loop3A_173 : vector<1x16xf32> to vector<16xf32>
        %parallel_loop3A_175 = vector.shape_cast %parallel_loop3A_170 : vector<16xf32> to vector<1x16xf32>
        tpu.vector_store %arg8[%parallel_loop3A_171, %parallel_loop3A_172], %parallel_loop3A_175 {strides = array<i32>} : memref<32x1000xf32, #tpu.memory_space<vmem>>, vector<1x16xf32>,
        %parallel_loop3A_176 = arith.index_cast %parallel_loop3A_91 : i32 to index
        %parallel_loop3A_177 = arith.constant 96 : index
        %parallel_loop3A_178 = tpu.vector_load %arg8[%parallel_loop3A_176, %parallel_loop3A_177] {strides = array<i32>} : memref<32x1000xf32, #tpu.memory_space<vmem>>, vector<1x16xf32>,
        %parallel_loop3A_179 = vector.shape_cast %parallel_loop3A_178 : vector<1x16xf32> to vector<16xf32>
        %parallel_loop3A_180 = arith.index_cast %parallel_loop3A_91 : i32 to index
        %parallel_loop3A_181 = arith.constant 96 : index
        %parallel_loop3A_182 = tpu.vector_load %arg9[%parallel_loop3A_180, %parallel_loop3A_181] {strides = array<i32>} : memref<25x1000xf32, #tpu.memory_space<vmem>>, vector<1x16xf32>,
        %parallel_loop3A_183 = vector.shape_cast %parallel_loop3A_182 : vector<1x16xf32> to vector<16xf32>
        %parallel_loop3A_184 = arith.addf %parallel_loop3A_179, %parallel_loop3A_183 : vector<16xf32>
        %parallel_loop3A_185 = arith.index_cast %parallel_loop3A_91 : i32 to index
        %parallel_loop3A_186 = arith.constant 96 : index
        %parallel_loop3A_187 = tpu.vector_load %arg8[%parallel_loop3A_185, %parallel_loop3A_186] {strides = array<i32>} : memref<32x1000xf32, #tpu.memory_space<vmem>>, vector<1x16xf32>,
        %parallel_loop3A_188 = vector.shape_cast %parallel_loop3A_187 : vector<1x16xf32> to vector<16xf32>
        %parallel_loop3A_189 = vector.shape_cast %parallel_loop3A_184 : vector<16xf32> to vector<1x16xf32>
        tpu.vector_store %arg8[%parallel_loop3A_185, %parallel_loop3A_186], %parallel_loop3A_189 {strides = array<i32>} : memref<32x1000xf32, #tpu.memory_space<vmem>>, vector<1x16xf32>,
        %parallel_loop3A_190 = arith.index_cast %parallel_loop3A_91 : i32 to index
        %parallel_loop3A_191 = arith.constant 112 : index
        %parallel_loop3A_192 = tpu.vector_load %arg8[%parallel_loop3A_190, %parallel_loop3A_191] {strides = array<i32>} : memref<32x1000xf32, #tpu.memory_space<vmem>>, vector<1x16xf32>,
        %parallel_loop3A_193 = vector.shape_cast %parallel_loop3A_192 : vector<1x16xf32> to vector<16xf32>
        %parallel_loop3A_194 = arith.index_cast %parallel_loop3A_91 : i32 to index
        %parallel_loop3A_195 = arith.constant 112 : index
        %parallel_loop3A_196 = tpu.vector_load %arg9[%parallel_loop3A_194, %parallel_loop3A_195] {strides = array<i32>} : memref<25x1000xf32, #tpu.memory_space<vmem>>, vector<1x16xf32>,
        %parallel_loop3A_197 = vector.shape_cast %parallel_loop3A_196 : vector<1x16xf32> to vector<16xf32>
        %parallel_loop3A_198 = arith.addf %parallel_loop3A_193, %parallel_loop3A_197 : vector<16xf32>
        %parallel_loop3A_199 = arith.index_cast %parallel_loop3A_91 : i32 to index
        %parallel_loop3A_200 = arith.constant 112 : index
        %parallel_loop3A_201 = tpu.vector_load %arg8[%parallel_loop3A_199, %parallel_loop3A_200] {strides = array<i32>} : memref<32x1000xf32, #tpu.memory_space<vmem>>, vector<1x16xf32>,
        %parallel_loop3A_202 = vector.shape_cast %parallel_loop3A_201 : vector<1x16xf32> to vector<16xf32>
        %parallel_loop3A_203 = vector.shape_cast %parallel_loop3A_198 : vector<16xf32> to vector<1x16xf32>
        tpu.vector_store %arg8[%parallel_loop3A_199, %parallel_loop3A_200], %parallel_loop3A_203 {strides = array<i32>} : memref<32x1000xf32, #tpu.memory_space<vmem>>, vector<1x16xf32>,
        %parallel_loop3A_204 = arith.index_cast %parallel_loop3A_91 : i32 to index
        %parallel_loop3A_205 = arith.constant 128 : index
        %parallel_loop3A_206 = tpu.vector_load %arg8[%parallel_loop3A_204, %parallel_loop3A_205] {strides = array<i32>} : memref<32x1000xf32, #tpu.memory_space<vmem>>, vector<1x16xf32>,
        %parallel_loop3A_207 = vector.shape_cast %parallel_loop3A_206 : vector<1x16xf32> to vector<16xf32>
        %parallel_loop3A_208 = arith.index_cast %parallel_loop3A_91 : i32 to index
        %parallel_loop3A_209 = arith.constant 128 : index
        %parallel_loop3A_210 = tpu.vector_load %arg9[%parallel_loop3A_208, %parallel_loop3A_209] {strides = array<i32>} : memref<25x1000xf32, #tpu.memory_space<vmem>>, vector<1x16xf32>,
        %parallel_loop3A_211 = vector.shape_cast %parallel_loop3A_210 : vector<1x16xf32> to vector<16xf32>
        %parallel_loop3A_212 = arith.addf %parallel_loop3A_207, %parallel_loop3A_211 : vector<16xf32>
        %parallel_loop3A_213 = arith.index_cast %parallel_loop3A_91 : i32 to index
        %parallel_loop3A_214 = arith.constant 128 : index
        %parallel_loop3A_215 = tpu.vector_load %arg8[%parallel_loop3A_213, %parallel_loop3A_214] {strides = array<i32>} : memref<32x1000xf32, #tpu.memory_space<vmem>>, vector<1x16xf32>,
        %parallel_loop3A_216 = vector.shape_cast %parallel_loop3A_215 : vector<1x16xf32> to vector<16xf32>
        %parallel_loop3A_217 = vector.shape_cast %parallel_loop3A_212 : vector<16xf32> to vector<1x16xf32>
        tpu.vector_store %arg8[%parallel_loop3A_213, %parallel_loop3A_214], %parallel_loop3A_217 {strides = array<i32>} : memref<32x1000xf32, #tpu.memory_space<vmem>>, vector<1x16xf32>,
        %parallel_loop3A_218 = arith.index_cast %parallel_loop3A_91 : i32 to index
        %parallel_loop3A_219 = arith.constant 144 : index
        %parallel_loop3A_220 = tpu.vector_load %arg8[%parallel_loop3A_218, %parallel_loop3A_219] {strides = array<i32>} : memref<32x1000xf32, #tpu.memory_space<vmem>>, vector<1x16xf32>,
        %parallel_loop3A_221 = vector.shape_cast %parallel_loop3A_220 : vector<1x16xf32> to vector<16xf32>
        %parallel_loop3A_222 = arith.index_cast %parallel_loop3A_91 : i32 to index
        %parallel_loop3A_223 = arith.constant 144 : index
        %parallel_loop3A_224 = tpu.vector_load %arg9[%parallel_loop3A_222, %parallel_loop3A_223] {strides = array<i32>} : memref<25x1000xf32, #tpu.memory_space<vmem>>, vector<1x16xf32>,
        %parallel_loop3A_225 = vector.shape_cast %parallel_loop3A_224 : vector<1x16xf32> to vector<16xf32>
        %parallel_loop3A_226 = arith.addf %parallel_loop3A_221, %parallel_loop3A_225 : vector<16xf32>
        %parallel_loop3A_227 = arith.index_cast %parallel_loop3A_91 : i32 to index
        %parallel_loop3A_228 = arith.constant 144 : index
        %parallel_loop3A_229 = tpu.vector_load %arg8[%parallel_loop3A_227, %parallel_loop3A_228] {strides = array<i32>} : memref<32x1000xf32, #tpu.memory_space<vmem>>, vector<1x16xf32>,
        %parallel_loop3A_230 = vector.shape_cast %parallel_loop3A_229 : vector<1x16xf32> to vector<16xf32>
        %parallel_loop3A_231 = vector.shape_cast %parallel_loop3A_226 : vector<16xf32> to vector<1x16xf32>
        tpu.vector_store %arg8[%parallel_loop3A_227, %parallel_loop3A_228], %parallel_loop3A_231 {strides = array<i32>} : memref<32x1000xf32, #tpu.memory_space<vmem>>, vector<1x16xf32>,
        %parallel_loop3A_232 = arith.index_cast %parallel_loop3A_91 : i32 to index
        %parallel_loop3A_233 = arith.constant 160 : index
        %parallel_loop3A_234 = tpu.vector_load %arg8[%parallel_loop3A_232, %parallel_loop3A_233] {strides = array<i32>} : memref<32x1000xf32, #tpu.memory_space<vmem>>, vector<1x16xf32>,
        %parallel_loop3A_235 = vector.shape_cast %parallel_loop3A_234 : vector<1x16xf32> to vector<16xf32>
        %parallel_loop3A_236 = arith.index_cast %parallel_loop3A_91 : i32 to index
        %parallel_loop3A_237 = arith.constant 160 : index
        %parallel_loop3A_238 = tpu.vector_load %arg9[%parallel_loop3A_236, %parallel_loop3A_237] {strides = array<i32>} : memref<25x1000xf32, #tpu.memory_space<vmem>>, vector<1x16xf32>,
        %parallel_loop3A_239 = vector.shape_cast %parallel_loop3A_238 : vector<1x16xf32> to vector<16xf32>
        %parallel_loop3A_240 = arith.addf %parallel_loop3A_235, %parallel_loop3A_239 : vector<16xf32>
        %parallel_loop3A_241 = arith.index_cast %parallel_loop3A_91 : i32 to index
        %parallel_loop3A_242 = arith.constant 160 : index
        %parallel_loop3A_243 = tpu.vector_load %arg8[%parallel_loop3A_241, %parallel_loop3A_242] {strides = array<i32>} : memref<32x1000xf32, #tpu.memory_space<vmem>>, vector<1x16xf32>,
        %parallel_loop3A_244 = vector.shape_cast %parallel_loop3A_243 : vector<1x16xf32> to vector<16xf32>
        %parallel_loop3A_245 = vector.shape_cast %parallel_loop3A_240 : vector<16xf32> to vector<1x16xf32>
        tpu.vector_store %arg8[%parallel_loop3A_241, %parallel_loop3A_242], %parallel_loop3A_245 {strides = array<i32>} : memref<32x1000xf32, #tpu.memory_space<vmem>>, vector<1x16xf32>,
        %parallel_loop3A_246 = arith.index_cast %parallel_loop3A_91 : i32 to index
        %parallel_loop3A_247 = arith.constant 176 : index
        %parallel_loop3A_248 = tpu.vector_load %arg8[%parallel_loop3A_246, %parallel_loop3A_247] {strides = array<i32>} : memref<32x1000xf32, #tpu.memory_space<vmem>>, vector<1x16xf32>,
        %parallel_loop3A_249 = vector.shape_cast %parallel_loop3A_248 : vector<1x16xf32> to vector<16xf32>
        %parallel_loop3A_250 = arith.index_cast %parallel_loop3A_91 : i32 to index
        %parallel_loop3A_251 = arith.constant 176 : index
        %parallel_loop3A_252 = tpu.vector_load %arg9[%parallel_loop3A_250, %parallel_loop3A_251] {strides = array<i32>} : memref<25x1000xf32, #tpu.memory_space<vmem>>, vector<1x16xf32>,
        %parallel_loop3A_253 = vector.shape_cast %parallel_loop3A_252 : vector<1x16xf32> to vector<16xf32>
        %parallel_loop3A_254 = arith.addf %parallel_loop3A_249, %parallel_loop3A_253 : vector<16xf32>
        %parallel_loop3A_255 = arith.index_cast %parallel_loop3A_91 : i32 to index
        %parallel_loop3A_256 = arith.constant 176 : index
        %parallel_loop3A_257 = tpu.vector_load %arg8[%parallel_loop3A_255, %parallel_loop3A_256] {strides = array<i32>} : memref<32x1000xf32, #tpu.memory_space<vmem>>, vector<1x16xf32>,
        %parallel_loop3A_258 = vector.shape_cast %parallel_loop3A_257 : vector<1x16xf32> to vector<16xf32>
        %parallel_loop3A_259 = vector.shape_cast %parallel_loop3A_254 : vector<16xf32> to vector<1x16xf32>
        tpu.vector_store %arg8[%parallel_loop3A_255, %parallel_loop3A_256], %parallel_loop3A_259 {strides = array<i32>} : memref<32x1000xf32, #tpu.memory_space<vmem>>, vector<1x16xf32>,
        %parallel_loop3A_260 = arith.index_cast %parallel_loop3A_91 : i32 to index
        %parallel_loop3A_261 = arith.constant 192 : index
        %parallel_loop3A_262 = tpu.vector_load %arg8[%parallel_loop3A_260, %parallel_loop3A_261] {strides = array<i32>} : memref<32x1000xf32, #tpu.memory_space<vmem>>, vector<1x16xf32>,
        %parallel_loop3A_263 = vector.shape_cast %parallel_loop3A_262 : vector<1x16xf32> to vector<16xf32>
        %parallel_loop3A_264 = arith.index_cast %parallel_loop3A_91 : i32 to index
        %parallel_loop3A_265 = arith.constant 192 : index
        %parallel_loop3A_266 = tpu.vector_load %arg9[%parallel_loop3A_264, %parallel_loop3A_265] {strides = array<i32>} : memref<25x1000xf32, #tpu.memory_space<vmem>>, vector<1x16xf32>,
        %parallel_loop3A_267 = vector.shape_cast %parallel_loop3A_266 : vector<1x16xf32> to vector<16xf32>
        %parallel_loop3A_268 = arith.addf %parallel_loop3A_263, %parallel_loop3A_267 : vector<16xf32>
        %parallel_loop3A_269 = arith.index_cast %parallel_loop3A_91 : i32 to index
        %parallel_loop3A_270 = arith.constant 192 : index
        %parallel_loop3A_271 = tpu.vector_load %arg8[%parallel_loop3A_269, %parallel_loop3A_270] {strides = array<i32>} : memref<32x1000xf32, #tpu.memory_space<vmem>>, vector<1x16xf32>,
        %parallel_loop3A_272 = vector.shape_cast %parallel_loop3A_271 : vector<1x16xf32> to vector<16xf32>
        %parallel_loop3A_273 = vector.shape_cast %parallel_loop3A_268 : vector<16xf32> to vector<1x16xf32>
        tpu.vector_store %arg8[%parallel_loop3A_269, %parallel_loop3A_270], %parallel_loop3A_273 {strides = array<i32>} : memref<32x1000xf32, #tpu.memory_space<vmem>>, vector<1x16xf32>,
        %parallel_loop3A_274 = arith.index_cast %parallel_loop3A_91 : i32 to index
        %parallel_loop3A_275 = arith.constant 208 : index
        %parallel_loop3A_276 = tpu.vector_load %arg8[%parallel_loop3A_274, %parallel_loop3A_275] {strides = array<i32>} : memref<32x1000xf32, #tpu.memory_space<vmem>>, vector<1x16xf32>,
        %parallel_loop3A_277 = vector.shape_cast %parallel_loop3A_276 : vector<1x16xf32> to vector<16xf32>
        %parallel_loop3A_278 = arith.index_cast %parallel_loop3A_91 : i32 to index
        %parallel_loop3A_279 = arith.constant 208 : index
        %parallel_loop3A_280 = tpu.vector_load %arg9[%parallel_loop3A_278, %parallel_loop3A_279] {strides = array<i32>} : memref<25x1000xf32, #tpu.memory_space<vmem>>, vector<1x16xf32>,
        %parallel_loop3A_281 = vector.shape_cast %parallel_loop3A_280 : vector<1x16xf32> to vector<16xf32>
        %parallel_loop3A_282 = arith.addf %parallel_loop3A_277, %parallel_loop3A_281 : vector<16xf32>
        %parallel_loop3A_283 = arith.index_cast %parallel_loop3A_91 : i32 to index
        %parallel_loop3A_284 = arith.constant 208 : index
        %parallel_loop3A_285 = tpu.vector_load %arg8[%parallel_loop3A_283, %parallel_loop3A_284] {strides = array<i32>} : memref<32x1000xf32, #tpu.memory_space<vmem>>, vector<1x16xf32>,
        %parallel_loop3A_286 = vector.shape_cast %parallel_loop3A_285 : vector<1x16xf32> to vector<16xf32>
        %parallel_loop3A_287 = vector.shape_cast %parallel_loop3A_282 : vector<16xf32> to vector<1x16xf32>
        tpu.vector_store %arg8[%parallel_loop3A_283, %parallel_loop3A_284], %parallel_loop3A_287 {strides = array<i32>} : memref<32x1000xf32, #tpu.memory_space<vmem>>, vector<1x16xf32>,
        %parallel_loop3A_288 = arith.index_cast %parallel_loop3A_91 : i32 to index
        %parallel_loop3A_289 = arith.constant 224 : index
        %parallel_loop3A_290 = tpu.vector_load %arg8[%parallel_loop3A_288, %parallel_loop3A_289] {strides = array<i32>} : memref<32x1000xf32, #tpu.memory_space<vmem>>, vector<1x16xf32>,
        %parallel_loop3A_291 = vector.shape_cast %parallel_loop3A_290 : vector<1x16xf32> to vector<16xf32>
        %parallel_loop3A_292 = arith.index_cast %parallel_loop3A_91 : i32 to index
        %parallel_loop3A_293 = arith.constant 224 : index
        %parallel_loop3A_294 = tpu.vector_load %arg9[%parallel_loop3A_292, %parallel_loop3A_293] {strides = array<i32>} : memref<25x1000xf32, #tpu.memory_space<vmem>>, vector<1x16xf32>,
        %parallel_loop3A_295 = vector.shape_cast %parallel_loop3A_294 : vector<1x16xf32> to vector<16xf32>
        %parallel_loop3A_296 = arith.addf %parallel_loop3A_291, %parallel_loop3A_295 : vector<16xf32>
        %parallel_loop3A_297 = arith.index_cast %parallel_loop3A_91 : i32 to index
        %parallel_loop3A_298 = arith.constant 224 : index
        %parallel_loop3A_299 = tpu.vector_load %arg8[%parallel_loop3A_297, %parallel_loop3A_298] {strides = array<i32>} : memref<32x1000xf32, #tpu.memory_space<vmem>>, vector<1x16xf32>,
        %parallel_loop3A_300 = vector.shape_cast %parallel_loop3A_299 : vector<1x16xf32> to vector<16xf32>
        %parallel_loop3A_301 = vector.shape_cast %parallel_loop3A_296 : vector<16xf32> to vector<1x16xf32>
        tpu.vector_store %arg8[%parallel_loop3A_297, %parallel_loop3A_298], %parallel_loop3A_301 {strides = array<i32>} : memref<32x1000xf32, #tpu.memory_space<vmem>>, vector<1x16xf32>,
        %parallel_loop3A_302 = arith.index_cast %parallel_loop3A_91 : i32 to index
        %parallel_loop3A_303 = arith.constant 240 : index
        %parallel_loop3A_304 = tpu.vector_load %arg8[%parallel_loop3A_302, %parallel_loop3A_303] {strides = array<i32>} : memref<32x1000xf32, #tpu.memory_space<vmem>>, vector<1x16xf32>,
        %parallel_loop3A_305 = vector.shape_cast %parallel_loop3A_304 : vector<1x16xf32> to vector<16xf32>
        %parallel_loop3A_306 = arith.index_cast %parallel_loop3A_91 : i32 to index
        %parallel_loop3A_307 = arith.constant 240 : index
        %parallel_loop3A_308 = tpu.vector_load %arg9[%parallel_loop3A_306, %parallel_loop3A_307] {strides = array<i32>} : memref<25x1000xf32, #tpu.memory_space<vmem>>, vector<1x16xf32>,
        %parallel_loop3A_309 = vector.shape_cast %parallel_loop3A_308 : vector<1x16xf32> to vector<16xf32>
        %parallel_loop3A_310 = arith.addf %parallel_loop3A_305, %parallel_loop3A_309 : vector<16xf32>
        %parallel_loop3A_311 = arith.index_cast %parallel_loop3A_91 : i32 to index
        %parallel_loop3A_312 = arith.constant 240 : index
        %parallel_loop3A_313 = tpu.vector_load %arg8[%parallel_loop3A_311, %parallel_loop3A_312] {strides = array<i32>} : memref<32x1000xf32, #tpu.memory_space<vmem>>, vector<1x16xf32>,
        %parallel_loop3A_314 = vector.shape_cast %parallel_loop3A_313 : vector<1x16xf32> to vector<16xf32>
        %parallel_loop3A_315 = vector.shape_cast %parallel_loop3A_310 : vector<16xf32> to vector<1x16xf32>
        tpu.vector_store %arg8[%parallel_loop3A_311, %parallel_loop3A_312], %parallel_loop3A_315 {strides = array<i32>} : memref<32x1000xf32, #tpu.memory_space<vmem>>, vector<1x16xf32>,
        %parallel_loop3A_316 = arith.index_cast %parallel_loop3A_91 : i32 to index
        %parallel_loop3A_317 = arith.constant 256 : index
        %parallel_loop3A_318 = tpu.vector_load %arg8[%parallel_loop3A_316, %parallel_loop3A_317] {strides = array<i32>} : memref<32x1000xf32, #tpu.memory_space<vmem>>, vector<1x16xf32>,
        %parallel_loop3A_319 = vector.shape_cast %parallel_loop3A_318 : vector<1x16xf32> to vector<16xf32>
        %parallel_loop3A_320 = arith.index_cast %parallel_loop3A_91 : i32 to index
        %parallel_loop3A_321 = arith.constant 256 : index
        %parallel_loop3A_322 = tpu.vector_load %arg9[%parallel_loop3A_320, %parallel_loop3A_321] {strides = array<i32>} : memref<25x1000xf32, #tpu.memory_space<vmem>>, vector<1x16xf32>,
        %parallel_loop3A_323 = vector.shape_cast %parallel_loop3A_322 : vector<1x16xf32> to vector<16xf32>
        %parallel_loop3A_324 = arith.addf %parallel_loop3A_319, %parallel_loop3A_323 : vector<16xf32>
        %parallel_loop3A_325 = arith.index_cast %parallel_loop3A_91 : i32 to index
        %parallel_loop3A_326 = arith.constant 256 : index
        %parallel_loop3A_327 = tpu.vector_load %arg8[%parallel_loop3A_325, %parallel_loop3A_326] {strides = array<i32>} : memref<32x1000xf32, #tpu.memory_space<vmem>>, vector<1x16xf32>,
        %parallel_loop3A_328 = vector.shape_cast %parallel_loop3A_327 : vector<1x16xf32> to vector<16xf32>
        %parallel_loop3A_329 = vector.shape_cast %parallel_loop3A_324 : vector<16xf32> to vector<1x16xf32>
        tpu.vector_store %arg8[%parallel_loop3A_325, %parallel_loop3A_326], %parallel_loop3A_329 {strides = array<i32>} : memref<32x1000xf32, #tpu.memory_space<vmem>>, vector<1x16xf32>,
        %parallel_loop3A_330 = arith.index_cast %parallel_loop3A_91 : i32 to index
        %parallel_loop3A_331 = arith.constant 272 : index
        %parallel_loop3A_332 = tpu.vector_load %arg8[%parallel_loop3A_330, %parallel_loop3A_331] {strides = array<i32>} : memref<32x1000xf32, #tpu.memory_space<vmem>>, vector<1x16xf32>,
        %parallel_loop3A_333 = vector.shape_cast %parallel_loop3A_332 : vector<1x16xf32> to vector<16xf32>
        %parallel_loop3A_334 = arith.index_cast %parallel_loop3A_91 : i32 to index
        %parallel_loop3A_335 = arith.constant 272 : index
        %parallel_loop3A_336 = tpu.vector_load %arg9[%parallel_loop3A_334, %parallel_loop3A_335] {strides = array<i32>} : memref<25x1000xf32, #tpu.memory_space<vmem>>, vector<1x16xf32>,
        %parallel_loop3A_337 = vector.shape_cast %parallel_loop3A_336 : vector<1x16xf32> to vector<16xf32>
        %parallel_loop3A_338 = arith.addf %parallel_loop3A_333, %parallel_loop3A_337 : vector<16xf32>
        %parallel_loop3A_339 = arith.index_cast %parallel_loop3A_91 : i32 to index
        %parallel_loop3A_340 = arith.constant 272 : index
        %parallel_loop3A_341 = tpu.vector_load %arg8[%parallel_loop3A_339, %parallel_loop3A_340] {strides = array<i32>} : memref<32x1000xf32, #tpu.memory_space<vmem>>, vector<1x16xf32>,
        %parallel_loop3A_342 = vector.shape_cast %parallel_loop3A_341 : vector<1x16xf32> to vector<16xf32>
        %parallel_loop3A_343 = vector.shape_cast %parallel_loop3A_338 : vector<16xf32> to vector<1x16xf32>
        tpu.vector_store %arg8[%parallel_loop3A_339, %parallel_loop3A_340], %parallel_loop3A_343 {strides = array<i32>} : memref<32x1000xf32, #tpu.memory_space<vmem>>, vector<1x16xf32>,
        %parallel_loop3A_344 = arith.index_cast %parallel_loop3A_91 : i32 to index
        %parallel_loop3A_345 = arith.constant 288 : index
        %parallel_loop3A_346 = tpu.vector_load %arg8[%parallel_loop3A_344, %parallel_loop3A_345] {strides = array<i32>} : memref<32x1000xf32, #tpu.memory_space<vmem>>, vector<1x16xf32>,
        %parallel_loop3A_347 = vector.shape_cast %parallel_loop3A_346 : vector<1x16xf32> to vector<16xf32>
        %parallel_loop3A_348 = arith.index_cast %parallel_loop3A_91 : i32 to index
        %parallel_loop3A_349 = arith.constant 288 : index
        %parallel_loop3A_350 = tpu.vector_load %arg9[%parallel_loop3A_348, %parallel_loop3A_349] {strides = array<i32>} : memref<25x1000xf32, #tpu.memory_space<vmem>>, vector<1x16xf32>,
        %parallel_loop3A_351 = vector.shape_cast %parallel_loop3A_350 : vector<1x16xf32> to vector<16xf32>
        %parallel_loop3A_352 = arith.addf %parallel_loop3A_347, %parallel_loop3A_351 : vector<16xf32>
        %parallel_loop3A_353 = arith.index_cast %parallel_loop3A_91 : i32 to index
        %parallel_loop3A_354 = arith.constant 288 : index
        %parallel_loop3A_355 = tpu.vector_load %arg8[%parallel_loop3A_353, %parallel_loop3A_354] {strides = array<i32>} : memref<32x1000xf32, #tpu.memory_space<vmem>>, vector<1x16xf32>,
        %parallel_loop3A_356 = vector.shape_cast %parallel_loop3A_355 : vector<1x16xf32> to vector<16xf32>
        %parallel_loop3A_357 = vector.shape_cast %parallel_loop3A_352 : vector<16xf32> to vector<1x16xf32>
        tpu.vector_store %arg8[%parallel_loop3A_353, %parallel_loop3A_354], %parallel_loop3A_357 {strides = array<i32>} : memref<32x1000xf32, #tpu.memory_space<vmem>>, vector<1x16xf32>,
        %parallel_loop3A_358 = arith.index_cast %parallel_loop3A_91 : i32 to index
        %parallel_loop3A_359 = arith.constant 304 : index
        %parallel_loop3A_360 = tpu.vector_load %arg8[%parallel_loop3A_358, %parallel_loop3A_359] {strides = array<i32>} : memref<32x1000xf32, #tpu.memory_space<vmem>>, vector<1x16xf32>,
        %parallel_loop3A_361 = vector.shape_cast %parallel_loop3A_360 : vector<1x16xf32> to vector<16xf32>
        %parallel_loop3A_362 = arith.index_cast %parallel_loop3A_91 : i32 to index
        %parallel_loop3A_363 = arith.constant 304 : index
        %parallel_loop3A_364 = tpu.vector_load %arg9[%parallel_loop3A_362, %parallel_loop3A_363] {strides = array<i32>} : memref<25x1000xf32, #tpu.memory_space<vmem>>, vector<1x16xf32>,
        %parallel_loop3A_365 = vector.shape_cast %parallel_loop3A_364 : vector<1x16xf32> to vector<16xf32>
        %parallel_loop3A_366 = arith.addf %parallel_loop3A_361, %parallel_loop3A_365 : vector<16xf32>
        %parallel_loop3A_367 = arith.index_cast %parallel_loop3A_91 : i32 to index
        %parallel_loop3A_368 = arith.constant 304 : index
        %parallel_loop3A_369 = tpu.vector_load %arg8[%parallel_loop3A_367, %parallel_loop3A_368] {strides = array<i32>} : memref<32x1000xf32, #tpu.memory_space<vmem>>, vector<1x16xf32>,
        %parallel_loop3A_370 = vector.shape_cast %parallel_loop3A_369 : vector<1x16xf32> to vector<16xf32>
        %parallel_loop3A_371 = vector.shape_cast %parallel_loop3A_366 : vector<16xf32> to vector<1x16xf32>
        tpu.vector_store %arg8[%parallel_loop3A_367, %parallel_loop3A_368], %parallel_loop3A_371 {strides = array<i32>} : memref<32x1000xf32, #tpu.memory_space<vmem>>, vector<1x16xf32>,
        %parallel_loop3A_372 = arith.index_cast %parallel_loop3A_91 : i32 to index
        %parallel_loop3A_373 = arith.constant 320 : index
        %parallel_loop3A_374 = tpu.vector_load %arg8[%parallel_loop3A_372, %parallel_loop3A_373] {strides = array<i32>} : memref<32x1000xf32, #tpu.memory_space<vmem>>, vector<1x16xf32>,
        %parallel_loop3A_375 = vector.shape_cast %parallel_loop3A_374 : vector<1x16xf32> to vector<16xf32>
        %parallel_loop3A_376 = arith.index_cast %parallel_loop3A_91 : i32 to index
        %parallel_loop3A_377 = arith.constant 320 : index
        %parallel_loop3A_378 = tpu.vector_load %arg9[%parallel_loop3A_376, %parallel_loop3A_377] {strides = array<i32>} : memref<25x1000xf32, #tpu.memory_space<vmem>>, vector<1x16xf32>,
        %parallel_loop3A_379 = vector.shape_cast %parallel_loop3A_378 : vector<1x16xf32> to vector<16xf32>
        %parallel_loop3A_380 = arith.addf %parallel_loop3A_375, %parallel_loop3A_379 : vector<16xf32>
        %parallel_loop3A_381 = arith.index_cast %parallel_loop3A_91 : i32 to index
        %parallel_loop3A_382 = arith.constant 320 : index
        %parallel_loop3A_383 = tpu.vector_load %arg8[%parallel_loop3A_381, %parallel_loop3A_382] {strides = array<i32>} : memref<32x1000xf32, #tpu.memory_space<vmem>>, vector<1x16xf32>,
        %parallel_loop3A_384 = vector.shape_cast %parallel_loop3A_383 : vector<1x16xf32> to vector<16xf32>
        %parallel_loop3A_385 = vector.shape_cast %parallel_loop3A_380 : vector<16xf32> to vector<1x16xf32>
        tpu.vector_store %arg8[%parallel_loop3A_381, %parallel_loop3A_382], %parallel_loop3A_385 {strides = array<i32>} : memref<32x1000xf32, #tpu.memory_space<vmem>>, vector<1x16xf32>,
        %parallel_loop3A_386 = arith.index_cast %parallel_loop3A_91 : i32 to index
        %parallel_loop3A_387 = arith.constant 336 : index
        %parallel_loop3A_388 = tpu.vector_load %arg8[%parallel_loop3A_386, %parallel_loop3A_387] {strides = array<i32>} : memref<32x1000xf32, #tpu.memory_space<vmem>>, vector<1x16xf32>,
        %parallel_loop3A_389 = vector.shape_cast %parallel_loop3A_388 : vector<1x16xf32> to vector<16xf32>
        %parallel_loop3A_390 = arith.index_cast %parallel_loop3A_91 : i32 to index
        %parallel_loop3A_391 = arith.constant 336 : index
        %parallel_loop3A_392 = tpu.vector_load %arg9[%parallel_loop3A_390, %parallel_loop3A_391] {strides = array<i32>} : memref<25x1000xf32, #tpu.memory_space<vmem>>, vector<1x16xf32>,
        %parallel_loop3A_393 = vector.shape_cast %parallel_loop3A_392 : vector<1x16xf32> to vector<16xf32>
        %parallel_loop3A_394 = arith.addf %parallel_loop3A_389, %parallel_loop3A_393 : vector<16xf32>
        %parallel_loop3A_395 = arith.index_cast %parallel_loop3A_91 : i32 to index
        %parallel_loop3A_396 = arith.constant 336 : index
        %parallel_loop3A_397 = tpu.vector_load %arg8[%parallel_loop3A_395, %parallel_loop3A_396] {strides = array<i32>} : memref<32x1000xf32, #tpu.memory_space<vmem>>, vector<1x16xf32>,
        %parallel_loop3A_398 = vector.shape_cast %parallel_loop3A_397 : vector<1x16xf32> to vector<16xf32>
        %parallel_loop3A_399 = vector.shape_cast %parallel_loop3A_394 : vector<16xf32> to vector<1x16xf32>
        tpu.vector_store %arg8[%parallel_loop3A_395, %parallel_loop3A_396], %parallel_loop3A_399 {strides = array<i32>} : memref<32x1000xf32, #tpu.memory_space<vmem>>, vector<1x16xf32>,
        %parallel_loop3A_400 = arith.index_cast %parallel_loop3A_91 : i32 to index
        %parallel_loop3A_401 = arith.constant 352 : index
        %parallel_loop3A_402 = tpu.vector_load %arg8[%parallel_loop3A_400, %parallel_loop3A_401] {strides = array<i32>} : memref<32x1000xf32, #tpu.memory_space<vmem>>, vector<1x16xf32>,
        %parallel_loop3A_403 = vector.shape_cast %parallel_loop3A_402 : vector<1x16xf32> to vector<16xf32>
        %parallel_loop3A_404 = arith.index_cast %parallel_loop3A_91 : i32 to index
        %parallel_loop3A_405 = arith.constant 352 : index
        %parallel_loop3A_406 = tpu.vector_load %arg9[%parallel_loop3A_404, %parallel_loop3A_405] {strides = array<i32>} : memref<25x1000xf32, #tpu.memory_space<vmem>>, vector<1x16xf32>,
        %parallel_loop3A_407 = vector.shape_cast %parallel_loop3A_406 : vector<1x16xf32> to vector<16xf32>
        %parallel_loop3A_408 = arith.addf %parallel_loop3A_403, %parallel_loop3A_407 : vector<16xf32>
        %parallel_loop3A_409 = arith.index_cast %parallel_loop3A_91 : i32 to index
        %parallel_loop3A_410 = arith.constant 352 : index
        %parallel_loop3A_411 = tpu.vector_load %arg8[%parallel_loop3A_409, %parallel_loop3A_410] {strides = array<i32>} : memref<32x1000xf32, #tpu.memory_space<vmem>>, vector<1x16xf32>,
        %parallel_loop3A_412 = vector.shape_cast %parallel_loop3A_411 : vector<1x16xf32> to vector<16xf32>
        %parallel_loop3A_413 = vector.shape_cast %parallel_loop3A_408 : vector<16xf32> to vector<1x16xf32>
        tpu.vector_store %arg8[%parallel_loop3A_409, %parallel_loop3A_410], %parallel_loop3A_413 {strides = array<i32>} : memref<32x1000xf32, #tpu.memory_space<vmem>>, vector<1x16xf32>,
        %parallel_loop3A_414 = arith.index_cast %parallel_loop3A_91 : i32 to index
        %parallel_loop3A_415 = arith.constant 368 : index
        %parallel_loop3A_416 = tpu.vector_load %arg8[%parallel_loop3A_414, %parallel_loop3A_415] {strides = array<i32>} : memref<32x1000xf32, #tpu.memory_space<vmem>>, vector<1x16xf32>,
        %parallel_loop3A_417 = vector.shape_cast %parallel_loop3A_416 : vector<1x16xf32> to vector<16xf32>
        %parallel_loop3A_418 = arith.index_cast %parallel_loop3A_91 : i32 to index
        %parallel_loop3A_419 = arith.constant 368 : index
        %parallel_loop3A_420 = tpu.vector_load %arg9[%parallel_loop3A_418, %parallel_loop3A_419] {strides = array<i32>} : memref<25x1000xf32, #tpu.memory_space<vmem>>, vector<1x16xf32>,
        %parallel_loop3A_421 = vector.shape_cast %parallel_loop3A_420 : vector<1x16xf32> to vector<16xf32>
        %parallel_loop3A_422 = arith.addf %parallel_loop3A_417, %parallel_loop3A_421 : vector<16xf32>
        %parallel_loop3A_423 = arith.index_cast %parallel_loop3A_91 : i32 to index
        %parallel_loop3A_424 = arith.constant 368 : index
        %parallel_loop3A_425 = tpu.vector_load %arg8[%parallel_loop3A_423, %parallel_loop3A_424] {strides = array<i32>} : memref<32x1000xf32, #tpu.memory_space<vmem>>, vector<1x16xf32>,
        %parallel_loop3A_426 = vector.shape_cast %parallel_loop3A_425 : vector<1x16xf32> to vector<16xf32>
        %parallel_loop3A_427 = vector.shape_cast %parallel_loop3A_422 : vector<16xf32> to vector<1x16xf32>
        tpu.vector_store %arg8[%parallel_loop3A_423, %parallel_loop3A_424], %parallel_loop3A_427 {strides = array<i32>} : memref<32x1000xf32, #tpu.memory_space<vmem>>, vector<1x16xf32>,
        %parallel_loop3A_428 = arith.index_cast %parallel_loop3A_91 : i32 to index
        %parallel_loop3A_429 = arith.constant 384 : index
        %parallel_loop3A_430 = tpu.vector_load %arg8[%parallel_loop3A_428, %parallel_loop3A_429] {strides = array<i32>} : memref<32x1000xf32, #tpu.memory_space<vmem>>, vector<1x16xf32>,
        %parallel_loop3A_431 = vector.shape_cast %parallel_loop3A_430 : vector<1x16xf32> to vector<16xf32>
        %parallel_loop3A_432 = arith.index_cast %parallel_loop3A_91 : i32 to index
        %parallel_loop3A_433 = arith.constant 384 : index
        %parallel_loop3A_434 = tpu.vector_load %arg9[%parallel_loop3A_432, %parallel_loop3A_433] {strides = array<i32>} : memref<25x1000xf32, #tpu.memory_space<vmem>>, vector<1x16xf32>,
        %parallel_loop3A_435 = vector.shape_cast %parallel_loop3A_434 : vector<1x16xf32> to vector<16xf32>
        %parallel_loop3A_436 = arith.addf %parallel_loop3A_431, %parallel_loop3A_435 : vector<16xf32>
        %parallel_loop3A_437 = arith.index_cast %parallel_loop3A_91 : i32 to index
        %parallel_loop3A_438 = arith.constant 384 : index
        %parallel_loop3A_439 = tpu.vector_load %arg8[%parallel_loop3A_437, %parallel_loop3A_438] {strides = array<i32>} : memref<32x1000xf32, #tpu.memory_space<vmem>>, vector<1x16xf32>,
        %parallel_loop3A_440 = vector.shape_cast %parallel_loop3A_439 : vector<1x16xf32> to vector<16xf32>
        %parallel_loop3A_441 = vector.shape_cast %parallel_loop3A_436 : vector<16xf32> to vector<1x16xf32>
        tpu.vector_store %arg8[%parallel_loop3A_437, %parallel_loop3A_438], %parallel_loop3A_441 {strides = array<i32>} : memref<32x1000xf32, #tpu.memory_space<vmem>>, vector<1x16xf32>,
        %parallel_loop3A_442 = arith.index_cast %parallel_loop3A_91 : i32 to index
        %parallel_loop3A_443 = arith.constant 400 : index
        %parallel_loop3A_444 = tpu.vector_load %arg8[%parallel_loop3A_442, %parallel_loop3A_443] {strides = array<i32>} : memref<32x1000xf32, #tpu.memory_space<vmem>>, vector<1x16xf32>,
        %parallel_loop3A_445 = vector.shape_cast %parallel_loop3A_444 : vector<1x16xf32> to vector<16xf32>
        %parallel_loop3A_446 = arith.index_cast %parallel_loop3A_91 : i32 to index
        %parallel_loop3A_447 = arith.constant 400 : index
        %parallel_loop3A_448 = tpu.vector_load %arg9[%parallel_loop3A_446, %parallel_loop3A_447] {strides = array<i32>} : memref<25x1000xf32, #tpu.memory_space<vmem>>, vector<1x16xf32>,
        %parallel_loop3A_449 = vector.shape_cast %parallel_loop3A_448 : vector<1x16xf32> to vector<16xf32>
        %parallel_loop3A_450 = arith.addf %parallel_loop3A_445, %parallel_loop3A_449 : vector<16xf32>
        %parallel_loop3A_451 = arith.index_cast %parallel_loop3A_91 : i32 to index
        %parallel_loop3A_452 = arith.constant 400 : index
        %parallel_loop3A_453 = tpu.vector_load %arg8[%parallel_loop3A_451, %parallel_loop3A_452] {strides = array<i32>} : memref<32x1000xf32, #tpu.memory_space<vmem>>, vector<1x16xf32>,
        %parallel_loop3A_454 = vector.shape_cast %parallel_loop3A_453 : vector<1x16xf32> to vector<16xf32>
        %parallel_loop3A_455 = vector.shape_cast %parallel_loop3A_450 : vector<16xf32> to vector<1x16xf32>
        tpu.vector_store %arg8[%parallel_loop3A_451, %parallel_loop3A_452], %parallel_loop3A_455 {strides = array<i32>} : memref<32x1000xf32, #tpu.memory_space<vmem>>, vector<1x16xf32>,
        %parallel_loop3A_456 = arith.index_cast %parallel_loop3A_91 : i32 to index
        %parallel_loop3A_457 = arith.constant 416 : index
        %parallel_loop3A_458 = tpu.vector_load %arg8[%parallel_loop3A_456, %parallel_loop3A_457] {strides = array<i32>} : memref<32x1000xf32, #tpu.memory_space<vmem>>, vector<1x16xf32>,
        %parallel_loop3A_459 = vector.shape_cast %parallel_loop3A_458 : vector<1x16xf32> to vector<16xf32>
        %parallel_loop3A_460 = arith.index_cast %parallel_loop3A_91 : i32 to index
        %parallel_loop3A_461 = arith.constant 416 : index
        %parallel_loop3A_462 = tpu.vector_load %arg9[%parallel_loop3A_460, %parallel_loop3A_461] {strides = array<i32>} : memref<25x1000xf32, #tpu.memory_space<vmem>>, vector<1x16xf32>,
        %parallel_loop3A_463 = vector.shape_cast %parallel_loop3A_462 : vector<1x16xf32> to vector<16xf32>
        %parallel_loop3A_464 = arith.addf %parallel_loop3A_459, %parallel_loop3A_463 : vector<16xf32>
        %parallel_loop3A_465 = arith.index_cast %parallel_loop3A_91 : i32 to index
        %parallel_loop3A_466 = arith.constant 416 : index
        %parallel_loop3A_467 = tpu.vector_load %arg8[%parallel_loop3A_465, %parallel_loop3A_466] {strides = array<i32>} : memref<32x1000xf32, #tpu.memory_space<vmem>>, vector<1x16xf32>,
        %parallel_loop3A_468 = vector.shape_cast %parallel_loop3A_467 : vector<1x16xf32> to vector<16xf32>
        %parallel_loop3A_469 = vector.shape_cast %parallel_loop3A_464 : vector<16xf32> to vector<1x16xf32>
        tpu.vector_store %arg8[%parallel_loop3A_465, %parallel_loop3A_466], %parallel_loop3A_469 {strides = array<i32>} : memref<32x1000xf32, #tpu.memory_space<vmem>>, vector<1x16xf32>,
        %parallel_loop3A_470 = arith.index_cast %parallel_loop3A_91 : i32 to index
        %parallel_loop3A_471 = arith.constant 432 : index
        %parallel_loop3A_472 = tpu.vector_load %arg8[%parallel_loop3A_470, %parallel_loop3A_471] {strides = array<i32>} : memref<32x1000xf32, #tpu.memory_space<vmem>>, vector<1x16xf32>,
        %parallel_loop3A_473 = vector.shape_cast %parallel_loop3A_472 : vector<1x16xf32> to vector<16xf32>
        %parallel_loop3A_474 = arith.index_cast %parallel_loop3A_91 : i32 to index
        %parallel_loop3A_475 = arith.constant 432 : index
        %parallel_loop3A_476 = tpu.vector_load %arg9[%parallel_loop3A_474, %parallel_loop3A_475] {strides = array<i32>} : memref<25x1000xf32, #tpu.memory_space<vmem>>, vector<1x16xf32>,
        %parallel_loop3A_477 = vector.shape_cast %parallel_loop3A_476 : vector<1x16xf32> to vector<16xf32>
        %parallel_loop3A_478 = arith.addf %parallel_loop3A_473, %parallel_loop3A_477 : vector<16xf32>
        %parallel_loop3A_479 = arith.index_cast %parallel_loop3A_91 : i32 to index
        %parallel_loop3A_480 = arith.constant 432 : index
        %parallel_loop3A_481 = tpu.vector_load %arg8[%parallel_loop3A_479, %parallel_loop3A_480] {strides = array<i32>} : memref<32x1000xf32, #tpu.memory_space<vmem>>, vector<1x16xf32>,
        %parallel_loop3A_482 = vector.shape_cast %parallel_loop3A_481 : vector<1x16xf32> to vector<16xf32>
        %parallel_loop3A_483 = vector.shape_cast %parallel_loop3A_478 : vector<16xf32> to vector<1x16xf32>
        tpu.vector_store %arg8[%parallel_loop3A_479, %parallel_loop3A_480], %parallel_loop3A_483 {strides = array<i32>} : memref<32x1000xf32, #tpu.memory_space<vmem>>, vector<1x16xf32>,
        %parallel_loop3A_484 = arith.index_cast %parallel_loop3A_91 : i32 to index
        %parallel_loop3A_485 = arith.constant 448 : index
        %parallel_loop3A_486 = tpu.vector_load %arg8[%parallel_loop3A_484, %parallel_loop3A_485] {strides = array<i32>} : memref<32x1000xf32, #tpu.memory_space<vmem>>, vector<1x16xf32>,
        %parallel_loop3A_487 = vector.shape_cast %parallel_loop3A_486 : vector<1x16xf32> to vector<16xf32>
        %parallel_loop3A_488 = arith.index_cast %parallel_loop3A_91 : i32 to index
        %parallel_loop3A_489 = arith.constant 448 : index
        %parallel_loop3A_490 = tpu.vector_load %arg9[%parallel_loop3A_488, %parallel_loop3A_489] {strides = array<i32>} : memref<25x1000xf32, #tpu.memory_space<vmem>>, vector<1x16xf32>,
        %parallel_loop3A_491 = vector.shape_cast %parallel_loop3A_490 : vector<1x16xf32> to vector<16xf32>
        %parallel_loop3A_492 = arith.addf %parallel_loop3A_487, %parallel_loop3A_491 : vector<16xf32>
        %parallel_loop3A_493 = arith.index_cast %parallel_loop3A_91 : i32 to index
        %parallel_loop3A_494 = arith.constant 448 : index
        %parallel_loop3A_495 = tpu.vector_load %arg8[%parallel_loop3A_493, %parallel_loop3A_494] {strides = array<i32>} : memref<32x1000xf32, #tpu.memory_space<vmem>>, vector<1x16xf32>,
        %parallel_loop3A_496 = vector.shape_cast %parallel_loop3A_495 : vector<1x16xf32> to vector<16xf32>
        %parallel_loop3A_497 = vector.shape_cast %parallel_loop3A_492 : vector<16xf32> to vector<1x16xf32>
        tpu.vector_store %arg8[%parallel_loop3A_493, %parallel_loop3A_494], %parallel_loop3A_497 {strides = array<i32>} : memref<32x1000xf32, #tpu.memory_space<vmem>>, vector<1x16xf32>,
        %parallel_loop3A_498 = arith.index_cast %parallel_loop3A_91 : i32 to index
        %parallel_loop3A_499 = arith.constant 464 : index
        %parallel_loop3A_500 = tpu.vector_load %arg8[%parallel_loop3A_498, %parallel_loop3A_499] {strides = array<i32>} : memref<32x1000xf32, #tpu.memory_space<vmem>>, vector<1x16xf32>,
        %parallel_loop3A_501 = vector.shape_cast %parallel_loop3A_500 : vector<1x16xf32> to vector<16xf32>
        %parallel_loop3A_502 = arith.index_cast %parallel_loop3A_91 : i32 to index
        %parallel_loop3A_503 = arith.constant 464 : index
        %parallel_loop3A_504 = tpu.vector_load %arg9[%parallel_loop3A_502, %parallel_loop3A_503] {strides = array<i32>} : memref<25x1000xf32, #tpu.memory_space<vmem>>, vector<1x16xf32>,
        %parallel_loop3A_505 = vector.shape_cast %parallel_loop3A_504 : vector<1x16xf32> to vector<16xf32>
        %parallel_loop3A_506 = arith.addf %parallel_loop3A_501, %parallel_loop3A_505 : vector<16xf32>
        %parallel_loop3A_507 = arith.index_cast %parallel_loop3A_91 : i32 to index
        %parallel_loop3A_508 = arith.constant 464 : index
        %parallel_loop3A_509 = tpu.vector_load %arg8[%parallel_loop3A_507, %parallel_loop3A_508] {strides = array<i32>} : memref<32x1000xf32, #tpu.memory_space<vmem>>, vector<1x16xf32>,
        %parallel_loop3A_510 = vector.shape_cast %parallel_loop3A_509 : vector<1x16xf32> to vector<16xf32>
        %parallel_loop3A_511 = vector.shape_cast %parallel_loop3A_506 : vector<16xf32> to vector<1x16xf32>
        tpu.vector_store %arg8[%parallel_loop3A_507, %parallel_loop3A_508], %parallel_loop3A_511 {strides = array<i32>} : memref<32x1000xf32, #tpu.memory_space<vmem>>, vector<1x16xf32>,
        %parallel_loop3A_512 = arith.index_cast %parallel_loop3A_91 : i32 to index
        %parallel_loop3A_513 = arith.constant 480 : index
        %parallel_loop3A_514 = tpu.vector_load %arg8[%parallel_loop3A_512, %parallel_loop3A_513] {strides = array<i32>} : memref<32x1000xf32, #tpu.memory_space<vmem>>, vector<1x16xf32>,
        %parallel_loop3A_515 = vector.shape_cast %parallel_loop3A_514 : vector<1x16xf32> to vector<16xf32>
        %parallel_loop3A_516 = arith.index_cast %parallel_loop3A_91 : i32 to index
        %parallel_loop3A_517 = arith.constant 480 : index
        %parallel_loop3A_518 = tpu.vector_load %arg9[%parallel_loop3A_516, %parallel_loop3A_517] {strides = array<i32>} : memref<25x1000xf32, #tpu.memory_space<vmem>>, vector<1x16xf32>,
        %parallel_loop3A_519 = vector.shape_cast %parallel_loop3A_518 : vector<1x16xf32> to vector<16xf32>
        %parallel_loop3A_520 = arith.addf %parallel_loop3A_515, %parallel_loop3A_519 : vector<16xf32>
        %parallel_loop3A_521 = arith.index_cast %parallel_loop3A_91 : i32 to index
        %parallel_loop3A_522 = arith.constant 480 : index
        %parallel_loop3A_523 = tpu.vector_load %arg8[%parallel_loop3A_521, %parallel_loop3A_522] {strides = array<i32>} : memref<32x1000xf32, #tpu.memory_space<vmem>>, vector<1x16xf32>,
        %parallel_loop3A_524 = vector.shape_cast %parallel_loop3A_523 : vector<1x16xf32> to vector<16xf32>
        %parallel_loop3A_525 = vector.shape_cast %parallel_loop3A_520 : vector<16xf32> to vector<1x16xf32>
        tpu.vector_store %arg8[%parallel_loop3A_521, %parallel_loop3A_522], %parallel_loop3A_525 {strides = array<i32>} : memref<32x1000xf32, #tpu.memory_space<vmem>>, vector<1x16xf32>,
        %parallel_loop3A_526 = arith.index_cast %parallel_loop3A_91 : i32 to index
        %parallel_loop3A_527 = arith.constant 496 : index
        %parallel_loop3A_528 = tpu.vector_load %arg8[%parallel_loop3A_526, %parallel_loop3A_527] {strides = array<i32>} : memref<32x1000xf32, #tpu.memory_space<vmem>>, vector<1x16xf32>,
        %parallel_loop3A_529 = vector.shape_cast %parallel_loop3A_528 : vector<1x16xf32> to vector<16xf32>
        %parallel_loop3A_530 = arith.index_cast %parallel_loop3A_91 : i32 to index
        %parallel_loop3A_531 = arith.constant 496 : index
        %parallel_loop3A_532 = tpu.vector_load %arg9[%parallel_loop3A_530, %parallel_loop3A_531] {strides = array<i32>} : memref<25x1000xf32, #tpu.memory_space<vmem>>, vector<1x16xf32>,
        %parallel_loop3A_533 = vector.shape_cast %parallel_loop3A_532 : vector<1x16xf32> to vector<16xf32>
        %parallel_loop3A_534 = arith.addf %parallel_loop3A_529, %parallel_loop3A_533 : vector<16xf32>
        %parallel_loop3A_535 = arith.index_cast %parallel_loop3A_91 : i32 to index
        %parallel_loop3A_536 = arith.constant 496 : index
        %parallel_loop3A_537 = tpu.vector_load %arg8[%parallel_loop3A_535, %parallel_loop3A_536] {strides = array<i32>} : memref<32x1000xf32, #tpu.memory_space<vmem>>, vector<1x16xf32>,
        %parallel_loop3A_538 = vector.shape_cast %parallel_loop3A_537 : vector<1x16xf32> to vector<16xf32>
        %parallel_loop3A_539 = vector.shape_cast %parallel_loop3A_534 : vector<16xf32> to vector<1x16xf32>
        tpu.vector_store %arg8[%parallel_loop3A_535, %parallel_loop3A_536], %parallel_loop3A_539 {strides = array<i32>} : memref<32x1000xf32, #tpu.memory_space<vmem>>, vector<1x16xf32>,
        %parallel_loop3A_540 = arith.index_cast %parallel_loop3A_91 : i32 to index
        %parallel_loop3A_541 = arith.constant 512 : index
        %parallel_loop3A_542 = tpu.vector_load %arg8[%parallel_loop3A_540, %parallel_loop3A_541] {strides = array<i32>} : memref<32x1000xf32, #tpu.memory_space<vmem>>, vector<1x16xf32>,
        %parallel_loop3A_543 = vector.shape_cast %parallel_loop3A_542 : vector<1x16xf32> to vector<16xf32>
        %parallel_loop3A_544 = arith.index_cast %parallel_loop3A_91 : i32 to index
        %parallel_loop3A_545 = arith.constant 512 : index
        %parallel_loop3A_546 = tpu.vector_load %arg9[%parallel_loop3A_544, %parallel_loop3A_545] {strides = array<i32>} : memref<25x1000xf32, #tpu.memory_space<vmem>>, vector<1x16xf32>,
        %parallel_loop3A_547 = vector.shape_cast %parallel_loop3A_546 : vector<1x16xf32> to vector<16xf32>
        %parallel_loop3A_548 = arith.addf %parallel_loop3A_543, %parallel_loop3A_547 : vector<16xf32>
        %parallel_loop3A_549 = arith.index_cast %parallel_loop3A_91 : i32 to index
        %parallel_loop3A_550 = arith.constant 512 : index
        %parallel_loop3A_551 = tpu.vector_load %arg8[%parallel_loop3A_549, %parallel_loop3A_550] {strides = array<i32>} : memref<32x1000xf32, #tpu.memory_space<vmem>>, vector<1x16xf32>,
        %parallel_loop3A_552 = vector.shape_cast %parallel_loop3A_551 : vector<1x16xf32> to vector<16xf32>
        %parallel_loop3A_553 = vector.shape_cast %parallel_loop3A_548 : vector<16xf32> to vector<1x16xf32>
        tpu.vector_store %arg8[%parallel_loop3A_549, %parallel_loop3A_550], %parallel_loop3A_553 {strides = array<i32>} : memref<32x1000xf32, #tpu.memory_space<vmem>>, vector<1x16xf32>,
        %parallel_loop3A_554 = arith.index_cast %parallel_loop3A_91 : i32 to index
        %parallel_loop3A_555 = arith.constant 528 : index
        %parallel_loop3A_556 = tpu.vector_load %arg8[%parallel_loop3A_554, %parallel_loop3A_555] {strides = array<i32>} : memref<32x1000xf32, #tpu.memory_space<vmem>>, vector<1x16xf32>,
        %parallel_loop3A_557 = vector.shape_cast %parallel_loop3A_556 : vector<1x16xf32> to vector<16xf32>
        %parallel_loop3A_558 = arith.index_cast %parallel_loop3A_91 : i32 to index
        %parallel_loop3A_559 = arith.constant 528 : index
        %parallel_loop3A_560 = tpu.vector_load %arg9[%parallel_loop3A_558, %parallel_loop3A_559] {strides = array<i32>} : memref<25x1000xf32, #tpu.memory_space<vmem>>, vector<1x16xf32>,
        %parallel_loop3A_561 = vector.shape_cast %parallel_loop3A_560 : vector<1x16xf32> to vector<16xf32>
        %parallel_loop3A_562 = arith.addf %parallel_loop3A_557, %parallel_loop3A_561 : vector<16xf32>
        %parallel_loop3A_563 = arith.index_cast %parallel_loop3A_91 : i32 to index
        %parallel_loop3A_564 = arith.constant 528 : index
        %parallel_loop3A_565 = tpu.vector_load %arg8[%parallel_loop3A_563, %parallel_loop3A_564] {strides = array<i32>} : memref<32x1000xf32, #tpu.memory_space<vmem>>, vector<1x16xf32>,
        %parallel_loop3A_566 = vector.shape_cast %parallel_loop3A_565 : vector<1x16xf32> to vector<16xf32>
        %parallel_loop3A_567 = vector.shape_cast %parallel_loop3A_562 : vector<16xf32> to vector<1x16xf32>
        tpu.vector_store %arg8[%parallel_loop3A_563, %parallel_loop3A_564], %parallel_loop3A_567 {strides = array<i32>} : memref<32x1000xf32, #tpu.memory_space<vmem>>, vector<1x16xf32>,
        %parallel_loop3A_568 = arith.index_cast %parallel_loop3A_91 : i32 to index
        %parallel_loop3A_569 = arith.constant 544 : index
        %parallel_loop3A_570 = tpu.vector_load %arg8[%parallel_loop3A_568, %parallel_loop3A_569] {strides = array<i32>} : memref<32x1000xf32, #tpu.memory_space<vmem>>, vector<1x16xf32>,
        %parallel_loop3A_571 = vector.shape_cast %parallel_loop3A_570 : vector<1x16xf32> to vector<16xf32>
        %parallel_loop3A_572 = arith.index_cast %parallel_loop3A_91 : i32 to index
        %parallel_loop3A_573 = arith.constant 544 : index
        %parallel_loop3A_574 = tpu.vector_load %arg9[%parallel_loop3A_572, %parallel_loop3A_573] {strides = array<i32>} : memref<25x1000xf32, #tpu.memory_space<vmem>>, vector<1x16xf32>,
        %parallel_loop3A_575 = vector.shape_cast %parallel_loop3A_574 : vector<1x16xf32> to vector<16xf32>
        %parallel_loop3A_576 = arith.addf %parallel_loop3A_571, %parallel_loop3A_575 : vector<16xf32>
        %parallel_loop3A_577 = arith.index_cast %parallel_loop3A_91 : i32 to index
        %parallel_loop3A_578 = arith.constant 544 : index
        %parallel_loop3A_579 = tpu.vector_load %arg8[%parallel_loop3A_577, %parallel_loop3A_578] {strides = array<i32>} : memref<32x1000xf32, #tpu.memory_space<vmem>>, vector<1x16xf32>,
        %parallel_loop3A_580 = vector.shape_cast %parallel_loop3A_579 : vector<1x16xf32> to vector<16xf32>
        %parallel_loop3A_581 = vector.shape_cast %parallel_loop3A_576 : vector<16xf32> to vector<1x16xf32>
        tpu.vector_store %arg8[%parallel_loop3A_577, %parallel_loop3A_578], %parallel_loop3A_581 {strides = array<i32>} : memref<32x1000xf32, #tpu.memory_space<vmem>>, vector<1x16xf32>,
        %parallel_loop3A_582 = arith.index_cast %parallel_loop3A_91 : i32 to index
        %parallel_loop3A_583 = arith.constant 560 : index
        %parallel_loop3A_584 = tpu.vector_load %arg8[%parallel_loop3A_582, %parallel_loop3A_583] {strides = array<i32>} : memref<32x1000xf32, #tpu.memory_space<vmem>>, vector<1x16xf32>,
        %parallel_loop3A_585 = vector.shape_cast %parallel_loop3A_584 : vector<1x16xf32> to vector<16xf32>
        %parallel_loop3A_586 = arith.index_cast %parallel_loop3A_91 : i32 to index
        %parallel_loop3A_587 = arith.constant 560 : index
        %parallel_loop3A_588 = tpu.vector_load %arg9[%parallel_loop3A_586, %parallel_loop3A_587] {strides = array<i32>} : memref<25x1000xf32, #tpu.memory_space<vmem>>, vector<1x16xf32>,
        %parallel_loop3A_589 = vector.shape_cast %parallel_loop3A_588 : vector<1x16xf32> to vector<16xf32>
        %parallel_loop3A_590 = arith.addf %parallel_loop3A_585, %parallel_loop3A_589 : vector<16xf32>
        %parallel_loop3A_591 = arith.index_cast %parallel_loop3A_91 : i32 to index
        %parallel_loop3A_592 = arith.constant 560 : index
        %parallel_loop3A_593 = tpu.vector_load %arg8[%parallel_loop3A_591, %parallel_loop3A_592] {strides = array<i32>} : memref<32x1000xf32, #tpu.memory_space<vmem>>, vector<1x16xf32>,
        %parallel_loop3A_594 = vector.shape_cast %parallel_loop3A_593 : vector<1x16xf32> to vector<16xf32>
        %parallel_loop3A_595 = vector.shape_cast %parallel_loop3A_590 : vector<16xf32> to vector<1x16xf32>
        tpu.vector_store %arg8[%parallel_loop3A_591, %parallel_loop3A_592], %parallel_loop3A_595 {strides = array<i32>} : memref<32x1000xf32, #tpu.memory_space<vmem>>, vector<1x16xf32>,
        %parallel_loop3A_596 = arith.index_cast %parallel_loop3A_91 : i32 to index
        %parallel_loop3A_597 = arith.constant 576 : index
        %parallel_loop3A_598 = tpu.vector_load %arg8[%parallel_loop3A_596, %parallel_loop3A_597] {strides = array<i32>} : memref<32x1000xf32, #tpu.memory_space<vmem>>, vector<1x16xf32>,
        %parallel_loop3A_599 = vector.shape_cast %parallel_loop3A_598 : vector<1x16xf32> to vector<16xf32>
        %parallel_loop3A_600 = arith.index_cast %parallel_loop3A_91 : i32 to index
        %parallel_loop3A_601 = arith.constant 576 : index
        %parallel_loop3A_602 = tpu.vector_load %arg9[%parallel_loop3A_600, %parallel_loop3A_601] {strides = array<i32>} : memref<25x1000xf32, #tpu.memory_space<vmem>>, vector<1x16xf32>,
        %parallel_loop3A_603 = vector.shape_cast %parallel_loop3A_602 : vector<1x16xf32> to vector<16xf32>
        %parallel_loop3A_604 = arith.addf %parallel_loop3A_599, %parallel_loop3A_603 : vector<16xf32>
        %parallel_loop3A_605 = arith.index_cast %parallel_loop3A_91 : i32 to index
        %parallel_loop3A_606 = arith.constant 576 : index
        %parallel_loop3A_607 = tpu.vector_load %arg8[%parallel_loop3A_605, %parallel_loop3A_606] {strides = array<i32>} : memref<32x1000xf32, #tpu.memory_space<vmem>>, vector<1x16xf32>,
        %parallel_loop3A_608 = vector.shape_cast %parallel_loop3A_607 : vector<1x16xf32> to vector<16xf32>
        %parallel_loop3A_609 = vector.shape_cast %parallel_loop3A_604 : vector<16xf32> to vector<1x16xf32>
        tpu.vector_store %arg8[%parallel_loop3A_605, %parallel_loop3A_606], %parallel_loop3A_609 {strides = array<i32>} : memref<32x1000xf32, #tpu.memory_space<vmem>>, vector<1x16xf32>,
        %parallel_loop3A_610 = arith.index_cast %parallel_loop3A_91 : i32 to index
        %parallel_loop3A_611 = arith.constant 592 : index
        %parallel_loop3A_612 = tpu.vector_load %arg8[%parallel_loop3A_610, %parallel_loop3A_611] {strides = array<i32>} : memref<32x1000xf32, #tpu.memory_space<vmem>>, vector<1x16xf32>,
        %parallel_loop3A_613 = vector.shape_cast %parallel_loop3A_612 : vector<1x16xf32> to vector<16xf32>
        %parallel_loop3A_614 = arith.index_cast %parallel_loop3A_91 : i32 to index
        %parallel_loop3A_615 = arith.constant 592 : index
        %parallel_loop3A_616 = tpu.vector_load %arg9[%parallel_loop3A_614, %parallel_loop3A_615] {strides = array<i32>} : memref<25x1000xf32, #tpu.memory_space<vmem>>, vector<1x16xf32>,
        %parallel_loop3A_617 = vector.shape_cast %parallel_loop3A_616 : vector<1x16xf32> to vector<16xf32>
        %parallel_loop3A_618 = arith.addf %parallel_loop3A_613, %parallel_loop3A_617 : vector<16xf32>
        %parallel_loop3A_619 = arith.index_cast %parallel_loop3A_91 : i32 to index
        %parallel_loop3A_620 = arith.constant 592 : index
        %parallel_loop3A_621 = tpu.vector_load %arg8[%parallel_loop3A_619, %parallel_loop3A_620] {strides = array<i32>} : memref<32x1000xf32, #tpu.memory_space<vmem>>, vector<1x16xf32>,
        %parallel_loop3A_622 = vector.shape_cast %parallel_loop3A_621 : vector<1x16xf32> to vector<16xf32>
        %parallel_loop3A_623 = vector.shape_cast %parallel_loop3A_618 : vector<16xf32> to vector<1x16xf32>
        tpu.vector_store %arg8[%parallel_loop3A_619, %parallel_loop3A_620], %parallel_loop3A_623 {strides = array<i32>} : memref<32x1000xf32, #tpu.memory_space<vmem>>, vector<1x16xf32>,
        %parallel_loop3A_624 = arith.index_cast %parallel_loop3A_91 : i32 to index
        %parallel_loop3A_625 = arith.constant 608 : index
        %parallel_loop3A_626 = tpu.vector_load %arg8[%parallel_loop3A_624, %parallel_loop3A_625] {strides = array<i32>} : memref<32x1000xf32, #tpu.memory_space<vmem>>, vector<1x16xf32>,
        %parallel_loop3A_627 = vector.shape_cast %parallel_loop3A_626 : vector<1x16xf32> to vector<16xf32>
        %parallel_loop3A_628 = arith.index_cast %parallel_loop3A_91 : i32 to index
        %parallel_loop3A_629 = arith.constant 608 : index
        %parallel_loop3A_630 = tpu.vector_load %arg9[%parallel_loop3A_628, %parallel_loop3A_629] {strides = array<i32>} : memref<25x1000xf32, #tpu.memory_space<vmem>>, vector<1x16xf32>,
        %parallel_loop3A_631 = vector.shape_cast %parallel_loop3A_630 : vector<1x16xf32> to vector<16xf32>
        %parallel_loop3A_632 = arith.addf %parallel_loop3A_627, %parallel_loop3A_631 : vector<16xf32>
        %parallel_loop3A_633 = arith.index_cast %parallel_loop3A_91 : i32 to index
        %parallel_loop3A_634 = arith.constant 608 : index
        %parallel_loop3A_635 = tpu.vector_load %arg8[%parallel_loop3A_633, %parallel_loop3A_634] {strides = array<i32>} : memref<32x1000xf32, #tpu.memory_space<vmem>>, vector<1x16xf32>,
        %parallel_loop3A_636 = vector.shape_cast %parallel_loop3A_635 : vector<1x16xf32> to vector<16xf32>
        %parallel_loop3A_637 = vector.shape_cast %parallel_loop3A_632 : vector<16xf32> to vector<1x16xf32>
        tpu.vector_store %arg8[%parallel_loop3A_633, %parallel_loop3A_634], %parallel_loop3A_637 {strides = array<i32>} : memref<32x1000xf32, #tpu.memory_space<vmem>>, vector<1x16xf32>,
        %parallel_loop3A_638 = arith.index_cast %parallel_loop3A_91 : i32 to index
        %parallel_loop3A_639 = arith.constant 624 : index
        %parallel_loop3A_640 = tpu.vector_load %arg8[%parallel_loop3A_638, %parallel_loop3A_639] {strides = array<i32>} : memref<32x1000xf32, #tpu.memory_space<vmem>>, vector<1x16xf32>,
        %parallel_loop3A_641 = vector.shape_cast %parallel_loop3A_640 : vector<1x16xf32> to vector<16xf32>
        %parallel_loop3A_642 = arith.index_cast %parallel_loop3A_91 : i32 to index
        %parallel_loop3A_643 = arith.constant 624 : index
        %parallel_loop3A_644 = tpu.vector_load %arg9[%parallel_loop3A_642, %parallel_loop3A_643] {strides = array<i32>} : memref<25x1000xf32, #tpu.memory_space<vmem>>, vector<1x16xf32>,
        %parallel_loop3A_645 = vector.shape_cast %parallel_loop3A_644 : vector<1x16xf32> to vector<16xf32>
        %parallel_loop3A_646 = arith.addf %parallel_loop3A_641, %parallel_loop3A_645 : vector<16xf32>
        %parallel_loop3A_647 = arith.index_cast %parallel_loop3A_91 : i32 to index
        %parallel_loop3A_648 = arith.constant 624 : index
        %parallel_loop3A_649 = tpu.vector_load %arg8[%parallel_loop3A_647, %parallel_loop3A_648] {strides = array<i32>} : memref<32x1000xf32, #tpu.memory_space<vmem>>, vector<1x16xf32>,
        %parallel_loop3A_650 = vector.shape_cast %parallel_loop3A_649 : vector<1x16xf32> to vector<16xf32>
        %parallel_loop3A_651 = vector.shape_cast %parallel_loop3A_646 : vector<16xf32> to vector<1x16xf32>
        tpu.vector_store %arg8[%parallel_loop3A_647, %parallel_loop3A_648], %parallel_loop3A_651 {strides = array<i32>} : memref<32x1000xf32, #tpu.memory_space<vmem>>, vector<1x16xf32>,
        %parallel_loop3A_652 = arith.index_cast %parallel_loop3A_91 : i32 to index
        %parallel_loop3A_653 = arith.constant 640 : index
        %parallel_loop3A_654 = tpu.vector_load %arg8[%parallel_loop3A_652, %parallel_loop3A_653] {strides = array<i32>} : memref<32x1000xf32, #tpu.memory_space<vmem>>, vector<1x16xf32>,
        %parallel_loop3A_655 = vector.shape_cast %parallel_loop3A_654 : vector<1x16xf32> to vector<16xf32>
        %parallel_loop3A_656 = arith.index_cast %parallel_loop3A_91 : i32 to index
        %parallel_loop3A_657 = arith.constant 640 : index
        %parallel_loop3A_658 = tpu.vector_load %arg9[%parallel_loop3A_656, %parallel_loop3A_657] {strides = array<i32>} : memref<25x1000xf32, #tpu.memory_space<vmem>>, vector<1x16xf32>,
        %parallel_loop3A_659 = vector.shape_cast %parallel_loop3A_658 : vector<1x16xf32> to vector<16xf32>
        %parallel_loop3A_660 = arith.addf %parallel_loop3A_655, %parallel_loop3A_659 : vector<16xf32>
        %parallel_loop3A_661 = arith.index_cast %parallel_loop3A_91 : i32 to index
        %parallel_loop3A_662 = arith.constant 640 : index
        %parallel_loop3A_663 = tpu.vector_load %arg8[%parallel_loop3A_661, %parallel_loop3A_662] {strides = array<i32>} : memref<32x1000xf32, #tpu.memory_space<vmem>>, vector<1x16xf32>,
        %parallel_loop3A_664 = vector.shape_cast %parallel_loop3A_663 : vector<1x16xf32> to vector<16xf32>
        %parallel_loop3A_665 = vector.shape_cast %parallel_loop3A_660 : vector<16xf32> to vector<1x16xf32>
        tpu.vector_store %arg8[%parallel_loop3A_661, %parallel_loop3A_662], %parallel_loop3A_665 {strides = array<i32>} : memref<32x1000xf32, #tpu.memory_space<vmem>>, vector<1x16xf32>,
        %parallel_loop3A_666 = arith.index_cast %parallel_loop3A_91 : i32 to index
        %parallel_loop3A_667 = arith.constant 656 : index
        %parallel_loop3A_668 = tpu.vector_load %arg8[%parallel_loop3A_666, %parallel_loop3A_667] {strides = array<i32>} : memref<32x1000xf32, #tpu.memory_space<vmem>>, vector<1x16xf32>,
        %parallel_loop3A_669 = vector.shape_cast %parallel_loop3A_668 : vector<1x16xf32> to vector<16xf32>
        %parallel_loop3A_670 = arith.index_cast %parallel_loop3A_91 : i32 to index
        %parallel_loop3A_671 = arith.constant 656 : index
        %parallel_loop3A_672 = tpu.vector_load %arg9[%parallel_loop3A_670, %parallel_loop3A_671] {strides = array<i32>} : memref<25x1000xf32, #tpu.memory_space<vmem>>, vector<1x16xf32>,
        %parallel_loop3A_673 = vector.shape_cast %parallel_loop3A_672 : vector<1x16xf32> to vector<16xf32>
        %parallel_loop3A_674 = arith.addf %parallel_loop3A_669, %parallel_loop3A_673 : vector<16xf32>
        %parallel_loop3A_675 = arith.index_cast %parallel_loop3A_91 : i32 to index
        %parallel_loop3A_676 = arith.constant 656 : index
        %parallel_loop3A_677 = tpu.vector_load %arg8[%parallel_loop3A_675, %parallel_loop3A_676] {strides = array<i32>} : memref<32x1000xf32, #tpu.memory_space<vmem>>, vector<1x16xf32>,
        %parallel_loop3A_678 = vector.shape_cast %parallel_loop3A_677 : vector<1x16xf32> to vector<16xf32>
        %parallel_loop3A_679 = vector.shape_cast %parallel_loop3A_674 : vector<16xf32> to vector<1x16xf32>
        tpu.vector_store %arg8[%parallel_loop3A_675, %parallel_loop3A_676], %parallel_loop3A_679 {strides = array<i32>} : memref<32x1000xf32, #tpu.memory_space<vmem>>, vector<1x16xf32>,
        %parallel_loop3A_680 = arith.index_cast %parallel_loop3A_91 : i32 to index
        %parallel_loop3A_681 = arith.constant 672 : index
        %parallel_loop3A_682 = tpu.vector_load %arg8[%parallel_loop3A_680, %parallel_loop3A_681] {strides = array<i32>} : memref<32x1000xf32, #tpu.memory_space<vmem>>, vector<1x16xf32>,
        %parallel_loop3A_683 = vector.shape_cast %parallel_loop3A_682 : vector<1x16xf32> to vector<16xf32>
        %parallel_loop3A_684 = arith.index_cast %parallel_loop3A_91 : i32 to index
        %parallel_loop3A_685 = arith.constant 672 : index
        %parallel_loop3A_686 = tpu.vector_load %arg9[%parallel_loop3A_684, %parallel_loop3A_685] {strides = array<i32>} : memref<25x1000xf32, #tpu.memory_space<vmem>>, vector<1x16xf32>,
        %parallel_loop3A_687 = vector.shape_cast %parallel_loop3A_686 : vector<1x16xf32> to vector<16xf32>
        %parallel_loop3A_688 = arith.addf %parallel_loop3A_683, %parallel_loop3A_687 : vector<16xf32>
        %parallel_loop3A_689 = arith.index_cast %parallel_loop3A_91 : i32 to index
        %parallel_loop3A_690 = arith.constant 672 : index
        %parallel_loop3A_691 = tpu.vector_load %arg8[%parallel_loop3A_689, %parallel_loop3A_690] {strides = array<i32>} : memref<32x1000xf32, #tpu.memory_space<vmem>>, vector<1x16xf32>,
        %parallel_loop3A_692 = vector.shape_cast %parallel_loop3A_691 : vector<1x16xf32> to vector<16xf32>
        %parallel_loop3A_693 = vector.shape_cast %parallel_loop3A_688 : vector<16xf32> to vector<1x16xf32>
        tpu.vector_store %arg8[%parallel_loop3A_689, %parallel_loop3A_690], %parallel_loop3A_693 {strides = array<i32>} : memref<32x1000xf32, #tpu.memory_space<vmem>>, vector<1x16xf32>,
        %parallel_loop3A_694 = arith.index_cast %parallel_loop3A_91 : i32 to index
        %parallel_loop3A_695 = arith.constant 688 : index
        %parallel_loop3A_696 = tpu.vector_load %arg8[%parallel_loop3A_694, %parallel_loop3A_695] {strides = array<i32>} : memref<32x1000xf32, #tpu.memory_space<vmem>>, vector<1x16xf32>,
        %parallel_loop3A_697 = vector.shape_cast %parallel_loop3A_696 : vector<1x16xf32> to vector<16xf32>
        %parallel_loop3A_698 = arith.index_cast %parallel_loop3A_91 : i32 to index
        %parallel_loop3A_699 = arith.constant 688 : index
        %parallel_loop3A_700 = tpu.vector_load %arg9[%parallel_loop3A_698, %parallel_loop3A_699] {strides = array<i32>} : memref<25x1000xf32, #tpu.memory_space<vmem>>, vector<1x16xf32>,
        %parallel_loop3A_701 = vector.shape_cast %parallel_loop3A_700 : vector<1x16xf32> to vector<16xf32>
        %parallel_loop3A_702 = arith.addf %parallel_loop3A_697, %parallel_loop3A_701 : vector<16xf32>
        %parallel_loop3A_703 = arith.index_cast %parallel_loop3A_91 : i32 to index
        %parallel_loop3A_704 = arith.constant 688 : index
        %parallel_loop3A_705 = tpu.vector_load %arg8[%parallel_loop3A_703, %parallel_loop3A_704] {strides = array<i32>} : memref<32x1000xf32, #tpu.memory_space<vmem>>, vector<1x16xf32>,
        %parallel_loop3A_706 = vector.shape_cast %parallel_loop3A_705 : vector<1x16xf32> to vector<16xf32>
        %parallel_loop3A_707 = vector.shape_cast %parallel_loop3A_702 : vector<16xf32> to vector<1x16xf32>
        tpu.vector_store %arg8[%parallel_loop3A_703, %parallel_loop3A_704], %parallel_loop3A_707 {strides = array<i32>} : memref<32x1000xf32, #tpu.memory_space<vmem>>, vector<1x16xf32>,
        %parallel_loop3A_708 = arith.index_cast %parallel_loop3A_91 : i32 to index
        %parallel_loop3A_709 = arith.constant 704 : index
        %parallel_loop3A_710 = tpu.vector_load %arg8[%parallel_loop3A_708, %parallel_loop3A_709] {strides = array<i32>} : memref<32x1000xf32, #tpu.memory_space<vmem>>, vector<1x16xf32>,
        %parallel_loop3A_711 = vector.shape_cast %parallel_loop3A_710 : vector<1x16xf32> to vector<16xf32>
        %parallel_loop3A_712 = arith.index_cast %parallel_loop3A_91 : i32 to index
        %parallel_loop3A_713 = arith.constant 704 : index
        %parallel_loop3A_714 = tpu.vector_load %arg9[%parallel_loop3A_712, %parallel_loop3A_713] {strides = array<i32>} : memref<25x1000xf32, #tpu.memory_space<vmem>>, vector<1x16xf32>,
        %parallel_loop3A_715 = vector.shape_cast %parallel_loop3A_714 : vector<1x16xf32> to vector<16xf32>
        %parallel_loop3A_716 = arith.addf %parallel_loop3A_711, %parallel_loop3A_715 : vector<16xf32>
        %parallel_loop3A_717 = arith.index_cast %parallel_loop3A_91 : i32 to index
        %parallel_loop3A_718 = arith.constant 704 : index
        %parallel_loop3A_719 = tpu.vector_load %arg8[%parallel_loop3A_717, %parallel_loop3A_718] {strides = array<i32>} : memref<32x1000xf32, #tpu.memory_space<vmem>>, vector<1x16xf32>,
        %parallel_loop3A_720 = vector.shape_cast %parallel_loop3A_719 : vector<1x16xf32> to vector<16xf32>
        %parallel_loop3A_721 = vector.shape_cast %parallel_loop3A_716 : vector<16xf32> to vector<1x16xf32>
        tpu.vector_store %arg8[%parallel_loop3A_717, %parallel_loop3A_718], %parallel_loop3A_721 {strides = array<i32>} : memref<32x1000xf32, #tpu.memory_space<vmem>>, vector<1x16xf32>,
        %parallel_loop3A_722 = arith.index_cast %parallel_loop3A_91 : i32 to index
        %parallel_loop3A_723 = arith.constant 720 : index
        %parallel_loop3A_724 = tpu.vector_load %arg8[%parallel_loop3A_722, %parallel_loop3A_723] {strides = array<i32>} : memref<32x1000xf32, #tpu.memory_space<vmem>>, vector<1x16xf32>,
        %parallel_loop3A_725 = vector.shape_cast %parallel_loop3A_724 : vector<1x16xf32> to vector<16xf32>
        %parallel_loop3A_726 = arith.index_cast %parallel_loop3A_91 : i32 to index
        %parallel_loop3A_727 = arith.constant 720 : index
        %parallel_loop3A_728 = tpu.vector_load %arg9[%parallel_loop3A_726, %parallel_loop3A_727] {strides = array<i32>} : memref<25x1000xf32, #tpu.memory_space<vmem>>, vector<1x16xf32>,
        %parallel_loop3A_729 = vector.shape_cast %parallel_loop3A_728 : vector<1x16xf32> to vector<16xf32>
        %parallel_loop3A_730 = arith.addf %parallel_loop3A_725, %parallel_loop3A_729 : vector<16xf32>
        %parallel_loop3A_731 = arith.index_cast %parallel_loop3A_91 : i32 to index
        %parallel_loop3A_732 = arith.constant 720 : index
        %parallel_loop3A_733 = tpu.vector_load %arg8[%parallel_loop3A_731, %parallel_loop3A_732] {strides = array<i32>} : memref<32x1000xf32, #tpu.memory_space<vmem>>, vector<1x16xf32>,
        %parallel_loop3A_734 = vector.shape_cast %parallel_loop3A_733 : vector<1x16xf32> to vector<16xf32>
        %parallel_loop3A_735 = vector.shape_cast %parallel_loop3A_730 : vector<16xf32> to vector<1x16xf32>
        tpu.vector_store %arg8[%parallel_loop3A_731, %parallel_loop3A_732], %parallel_loop3A_735 {strides = array<i32>} : memref<32x1000xf32, #tpu.memory_space<vmem>>, vector<1x16xf32>,
        %parallel_loop3A_736 = arith.index_cast %parallel_loop3A_91 : i32 to index
        %parallel_loop3A_737 = arith.constant 736 : index
        %parallel_loop3A_738 = tpu.vector_load %arg8[%parallel_loop3A_736, %parallel_loop3A_737] {strides = array<i32>} : memref<32x1000xf32, #tpu.memory_space<vmem>>, vector<1x16xf32>,
        %parallel_loop3A_739 = vector.shape_cast %parallel_loop3A_738 : vector<1x16xf32> to vector<16xf32>
        %parallel_loop3A_740 = arith.index_cast %parallel_loop3A_91 : i32 to index
        %parallel_loop3A_741 = arith.constant 736 : index
        %parallel_loop3A_742 = tpu.vector_load %arg9[%parallel_loop3A_740, %parallel_loop3A_741] {strides = array<i32>} : memref<25x1000xf32, #tpu.memory_space<vmem>>, vector<1x16xf32>,
        %parallel_loop3A_743 = vector.shape_cast %parallel_loop3A_742 : vector<1x16xf32> to vector<16xf32>
        %parallel_loop3A_744 = arith.addf %parallel_loop3A_739, %parallel_loop3A_743 : vector<16xf32>
        %parallel_loop3A_745 = arith.index_cast %parallel_loop3A_91 : i32 to index
        %parallel_loop3A_746 = arith.constant 736 : index
        %parallel_loop3A_747 = tpu.vector_load %arg8[%parallel_loop3A_745, %parallel_loop3A_746] {strides = array<i32>} : memref<32x1000xf32, #tpu.memory_space<vmem>>, vector<1x16xf32>,
        %parallel_loop3A_748 = vector.shape_cast %parallel_loop3A_747 : vector<1x16xf32> to vector<16xf32>
        %parallel_loop3A_749 = vector.shape_cast %parallel_loop3A_744 : vector<16xf32> to vector<1x16xf32>
        tpu.vector_store %arg8[%parallel_loop3A_745, %parallel_loop3A_746], %parallel_loop3A_749 {strides = array<i32>} : memref<32x1000xf32, #tpu.memory_space<vmem>>, vector<1x16xf32>,
        %parallel_loop3A_750 = arith.index_cast %parallel_loop3A_91 : i32 to index
        %parallel_loop3A_751 = arith.constant 752 : index
        %parallel_loop3A_752 = tpu.vector_load %arg8[%parallel_loop3A_750, %parallel_loop3A_751] {strides = array<i32>} : memref<32x1000xf32, #tpu.memory_space<vmem>>, vector<1x16xf32>,
        %parallel_loop3A_753 = vector.shape_cast %parallel_loop3A_752 : vector<1x16xf32> to vector<16xf32>
        %parallel_loop3A_754 = arith.index_cast %parallel_loop3A_91 : i32 to index
        %parallel_loop3A_755 = arith.constant 752 : index
        %parallel_loop3A_756 = tpu.vector_load %arg9[%parallel_loop3A_754, %parallel_loop3A_755] {strides = array<i32>} : memref<25x1000xf32, #tpu.memory_space<vmem>>, vector<1x16xf32>,
        %parallel_loop3A_757 = vector.shape_cast %parallel_loop3A_756 : vector<1x16xf32> to vector<16xf32>
        %parallel_loop3A_758 = arith.addf %parallel_loop3A_753, %parallel_loop3A_757 : vector<16xf32>
        %parallel_loop3A_759 = arith.index_cast %parallel_loop3A_91 : i32 to index
        %parallel_loop3A_760 = arith.constant 752 : index
        %parallel_loop3A_761 = tpu.vector_load %arg8[%parallel_loop3A_759, %parallel_loop3A_760] {strides = array<i32>} : memref<32x1000xf32, #tpu.memory_space<vmem>>, vector<1x16xf32>,
        %parallel_loop3A_762 = vector.shape_cast %parallel_loop3A_761 : vector<1x16xf32> to vector<16xf32>
        %parallel_loop3A_763 = vector.shape_cast %parallel_loop3A_758 : vector<16xf32> to vector<1x16xf32>
        tpu.vector_store %arg8[%parallel_loop3A_759, %parallel_loop3A_760], %parallel_loop3A_763 {strides = array<i32>} : memref<32x1000xf32, #tpu.memory_space<vmem>>, vector<1x16xf32>,
        %parallel_loop3A_764 = arith.index_cast %parallel_loop3A_91 : i32 to index
        %parallel_loop3A_765 = arith.constant 768 : index
        %parallel_loop3A_766 = tpu.vector_load %arg8[%parallel_loop3A_764, %parallel_loop3A_765] {strides = array<i32>} : memref<32x1000xf32, #tpu.memory_space<vmem>>, vector<1x16xf32>,
        %parallel_loop3A_767 = vector.shape_cast %parallel_loop3A_766 : vector<1x16xf32> to vector<16xf32>
        %parallel_loop3A_768 = arith.index_cast %parallel_loop3A_91 : i32 to index
        %parallel_loop3A_769 = arith.constant 768 : index
        %parallel_loop3A_770 = tpu.vector_load %arg9[%parallel_loop3A_768, %parallel_loop3A_769] {strides = array<i32>} : memref<25x1000xf32, #tpu.memory_space<vmem>>, vector<1x16xf32>,
        %parallel_loop3A_771 = vector.shape_cast %parallel_loop3A_770 : vector<1x16xf32> to vector<16xf32>
        %parallel_loop3A_772 = arith.addf %parallel_loop3A_767, %parallel_loop3A_771 : vector<16xf32>
        %parallel_loop3A_773 = arith.index_cast %parallel_loop3A_91 : i32 to index
        %parallel_loop3A_774 = arith.constant 768 : index
        %parallel_loop3A_775 = tpu.vector_load %arg8[%parallel_loop3A_773, %parallel_loop3A_774] {strides = array<i32>} : memref<32x1000xf32, #tpu.memory_space<vmem>>, vector<1x16xf32>,
        %parallel_loop3A_776 = vector.shape_cast %parallel_loop3A_775 : vector<1x16xf32> to vector<16xf32>
        %parallel_loop3A_777 = vector.shape_cast %parallel_loop3A_772 : vector<16xf32> to vector<1x16xf32>
        tpu.vector_store %arg8[%parallel_loop3A_773, %parallel_loop3A_774], %parallel_loop3A_777 {strides = array<i32>} : memref<32x1000xf32, #tpu.memory_space<vmem>>, vector<1x16xf32>,
        %parallel_loop3A_778 = arith.index_cast %parallel_loop3A_91 : i32 to index
        %parallel_loop3A_779 = arith.constant 784 : index
        %parallel_loop3A_780 = tpu.vector_load %arg8[%parallel_loop3A_778, %parallel_loop3A_779] {strides = array<i32>} : memref<32x1000xf32, #tpu.memory_space<vmem>>, vector<1x16xf32>,
        %parallel_loop3A_781 = vector.shape_cast %parallel_loop3A_780 : vector<1x16xf32> to vector<16xf32>
        %parallel_loop3A_782 = arith.index_cast %parallel_loop3A_91 : i32 to index
        %parallel_loop3A_783 = arith.constant 784 : index
        %parallel_loop3A_784 = tpu.vector_load %arg9[%parallel_loop3A_782, %parallel_loop3A_783] {strides = array<i32>} : memref<25x1000xf32, #tpu.memory_space<vmem>>, vector<1x16xf32>,
        %parallel_loop3A_785 = vector.shape_cast %parallel_loop3A_784 : vector<1x16xf32> to vector<16xf32>
        %parallel_loop3A_786 = arith.addf %parallel_loop3A_781, %parallel_loop3A_785 : vector<16xf32>
        %parallel_loop3A_787 = arith.index_cast %parallel_loop3A_91 : i32 to index
        %parallel_loop3A_788 = arith.constant 784 : index
        %parallel_loop3A_789 = tpu.vector_load %arg8[%parallel_loop3A_787, %parallel_loop3A_788] {strides = array<i32>} : memref<32x1000xf32, #tpu.memory_space<vmem>>, vector<1x16xf32>,
        %parallel_loop3A_790 = vector.shape_cast %parallel_loop3A_789 : vector<1x16xf32> to vector<16xf32>
        %parallel_loop3A_791 = vector.shape_cast %parallel_loop3A_786 : vector<16xf32> to vector<1x16xf32>
        tpu.vector_store %arg8[%parallel_loop3A_787, %parallel_loop3A_788], %parallel_loop3A_791 {strides = array<i32>} : memref<32x1000xf32, #tpu.memory_space<vmem>>, vector<1x16xf32>,
        %parallel_loop3A_792 = arith.index_cast %parallel_loop3A_91 : i32 to index
        %parallel_loop3A_793 = arith.constant 800 : index
        %parallel_loop3A_794 = tpu.vector_load %arg8[%parallel_loop3A_792, %parallel_loop3A_793] {strides = array<i32>} : memref<32x1000xf32, #tpu.memory_space<vmem>>, vector<1x16xf32>,
        %parallel_loop3A_795 = vector.shape_cast %parallel_loop3A_794 : vector<1x16xf32> to vector<16xf32>
        %parallel_loop3A_796 = arith.index_cast %parallel_loop3A_91 : i32 to index
        %parallel_loop3A_797 = arith.constant 800 : index
        %parallel_loop3A_798 = tpu.vector_load %arg9[%parallel_loop3A_796, %parallel_loop3A_797] {strides = array<i32>} : memref<25x1000xf32, #tpu.memory_space<vmem>>, vector<1x16xf32>,
        %parallel_loop3A_799 = vector.shape_cast %parallel_loop3A_798 : vector<1x16xf32> to vector<16xf32>
        %parallel_loop3A_800 = arith.addf %parallel_loop3A_795, %parallel_loop3A_799 : vector<16xf32>
        %parallel_loop3A_801 = arith.index_cast %parallel_loop3A_91 : i32 to index
        %parallel_loop3A_802 = arith.constant 800 : index
        %parallel_loop3A_803 = tpu.vector_load %arg8[%parallel_loop3A_801, %parallel_loop3A_802] {strides = array<i32>} : memref<32x1000xf32, #tpu.memory_space<vmem>>, vector<1x16xf32>,
        %parallel_loop3A_804 = vector.shape_cast %parallel_loop3A_803 : vector<1x16xf32> to vector<16xf32>
        %parallel_loop3A_805 = vector.shape_cast %parallel_loop3A_800 : vector<16xf32> to vector<1x16xf32>
        tpu.vector_store %arg8[%parallel_loop3A_801, %parallel_loop3A_802], %parallel_loop3A_805 {strides = array<i32>} : memref<32x1000xf32, #tpu.memory_space<vmem>>, vector<1x16xf32>,
        %parallel_loop3A_806 = arith.index_cast %parallel_loop3A_91 : i32 to index
        %parallel_loop3A_807 = arith.constant 816 : index
        %parallel_loop3A_808 = tpu.vector_load %arg8[%parallel_loop3A_806, %parallel_loop3A_807] {strides = array<i32>} : memref<32x1000xf32, #tpu.memory_space<vmem>>, vector<1x16xf32>,
        %parallel_loop3A_809 = vector.shape_cast %parallel_loop3A_808 : vector<1x16xf32> to vector<16xf32>
        %parallel_loop3A_810 = arith.index_cast %parallel_loop3A_91 : i32 to index
        %parallel_loop3A_811 = arith.constant 816 : index
        %parallel_loop3A_812 = tpu.vector_load %arg9[%parallel_loop3A_810, %parallel_loop3A_811] {strides = array<i32>} : memref<25x1000xf32, #tpu.memory_space<vmem>>, vector<1x16xf32>,
        %parallel_loop3A_813 = vector.shape_cast %parallel_loop3A_812 : vector<1x16xf32> to vector<16xf32>
        %parallel_loop3A_814 = arith.addf %parallel_loop3A_809, %parallel_loop3A_813 : vector<16xf32>
        %parallel_loop3A_815 = arith.index_cast %parallel_loop3A_91 : i32 to index
        %parallel_loop3A_816 = arith.constant 816 : index
        %parallel_loop3A_817 = tpu.vector_load %arg8[%parallel_loop3A_815, %parallel_loop3A_816] {strides = array<i32>} : memref<32x1000xf32, #tpu.memory_space<vmem>>, vector<1x16xf32>,
        %parallel_loop3A_818 = vector.shape_cast %parallel_loop3A_817 : vector<1x16xf32> to vector<16xf32>
        %parallel_loop3A_819 = vector.shape_cast %parallel_loop3A_814 : vector<16xf32> to vector<1x16xf32>
        tpu.vector_store %arg8[%parallel_loop3A_815, %parallel_loop3A_816], %parallel_loop3A_819 {strides = array<i32>} : memref<32x1000xf32, #tpu.memory_space<vmem>>, vector<1x16xf32>,
        %parallel_loop3A_820 = arith.index_cast %parallel_loop3A_91 : i32 to index
        %parallel_loop3A_821 = arith.constant 832 : index
        %parallel_loop3A_822 = tpu.vector_load %arg8[%parallel_loop3A_820, %parallel_loop3A_821] {strides = array<i32>} : memref<32x1000xf32, #tpu.memory_space<vmem>>, vector<1x16xf32>,
        %parallel_loop3A_823 = vector.shape_cast %parallel_loop3A_822 : vector<1x16xf32> to vector<16xf32>
        %parallel_loop3A_824 = arith.index_cast %parallel_loop3A_91 : i32 to index
        %parallel_loop3A_825 = arith.constant 832 : index
        %parallel_loop3A_826 = tpu.vector_load %arg9[%parallel_loop3A_824, %parallel_loop3A_825] {strides = array<i32>} : memref<25x1000xf32, #tpu.memory_space<vmem>>, vector<1x16xf32>,
        %parallel_loop3A_827 = vector.shape_cast %parallel_loop3A_826 : vector<1x16xf32> to vector<16xf32>
        %parallel_loop3A_828 = arith.addf %parallel_loop3A_823, %parallel_loop3A_827 : vector<16xf32>
        %parallel_loop3A_829 = arith.index_cast %parallel_loop3A_91 : i32 to index
        %parallel_loop3A_830 = arith.constant 832 : index
        %parallel_loop3A_831 = tpu.vector_load %arg8[%parallel_loop3A_829, %parallel_loop3A_830] {strides = array<i32>} : memref<32x1000xf32, #tpu.memory_space<vmem>>, vector<1x16xf32>,
        %parallel_loop3A_832 = vector.shape_cast %parallel_loop3A_831 : vector<1x16xf32> to vector<16xf32>
        %parallel_loop3A_833 = vector.shape_cast %parallel_loop3A_828 : vector<16xf32> to vector<1x16xf32>
        tpu.vector_store %arg8[%parallel_loop3A_829, %parallel_loop3A_830], %parallel_loop3A_833 {strides = array<i32>} : memref<32x1000xf32, #tpu.memory_space<vmem>>, vector<1x16xf32>,
        %parallel_loop3A_834 = arith.index_cast %parallel_loop3A_91 : i32 to index
        %parallel_loop3A_835 = arith.constant 848 : index
        %parallel_loop3A_836 = tpu.vector_load %arg8[%parallel_loop3A_834, %parallel_loop3A_835] {strides = array<i32>} : memref<32x1000xf32, #tpu.memory_space<vmem>>, vector<1x16xf32>,
        %parallel_loop3A_837 = vector.shape_cast %parallel_loop3A_836 : vector<1x16xf32> to vector<16xf32>
        %parallel_loop3A_838 = arith.index_cast %parallel_loop3A_91 : i32 to index
        %parallel_loop3A_839 = arith.constant 848 : index
        %parallel_loop3A_840 = tpu.vector_load %arg9[%parallel_loop3A_838, %parallel_loop3A_839] {strides = array<i32>} : memref<25x1000xf32, #tpu.memory_space<vmem>>, vector<1x16xf32>,
        %parallel_loop3A_841 = vector.shape_cast %parallel_loop3A_840 : vector<1x16xf32> to vector<16xf32>
        %parallel_loop3A_842 = arith.addf %parallel_loop3A_837, %parallel_loop3A_841 : vector<16xf32>
        %parallel_loop3A_843 = arith.index_cast %parallel_loop3A_91 : i32 to index
        %parallel_loop3A_844 = arith.constant 848 : index
        %parallel_loop3A_845 = tpu.vector_load %arg8[%parallel_loop3A_843, %parallel_loop3A_844] {strides = array<i32>} : memref<32x1000xf32, #tpu.memory_space<vmem>>, vector<1x16xf32>,
        %parallel_loop3A_846 = vector.shape_cast %parallel_loop3A_845 : vector<1x16xf32> to vector<16xf32>
        %parallel_loop3A_847 = vector.shape_cast %parallel_loop3A_842 : vector<16xf32> to vector<1x16xf32>
        tpu.vector_store %arg8[%parallel_loop3A_843, %parallel_loop3A_844], %parallel_loop3A_847 {strides = array<i32>} : memref<32x1000xf32, #tpu.memory_space<vmem>>, vector<1x16xf32>,
        %parallel_loop3A_848 = arith.index_cast %parallel_loop3A_91 : i32 to index
        %parallel_loop3A_849 = arith.constant 864 : index
        %parallel_loop3A_850 = tpu.vector_load %arg8[%parallel_loop3A_848, %parallel_loop3A_849] {strides = array<i32>} : memref<32x1000xf32, #tpu.memory_space<vmem>>, vector<1x16xf32>,
        %parallel_loop3A_851 = vector.shape_cast %parallel_loop3A_850 : vector<1x16xf32> to vector<16xf32>
        %parallel_loop3A_852 = arith.index_cast %parallel_loop3A_91 : i32 to index
        %parallel_loop3A_853 = arith.constant 864 : index
        %parallel_loop3A_854 = tpu.vector_load %arg9[%parallel_loop3A_852, %parallel_loop3A_853] {strides = array<i32>} : memref<25x1000xf32, #tpu.memory_space<vmem>>, vector<1x16xf32>,
        %parallel_loop3A_855 = vector.shape_cast %parallel_loop3A_854 : vector<1x16xf32> to vector<16xf32>
        %parallel_loop3A_856 = arith.addf %parallel_loop3A_851, %parallel_loop3A_855 : vector<16xf32>
        %parallel_loop3A_857 = arith.index_cast %parallel_loop3A_91 : i32 to index
        %parallel_loop3A_858 = arith.constant 864 : index
        %parallel_loop3A_859 = tpu.vector_load %arg8[%parallel_loop3A_857, %parallel_loop3A_858] {strides = array<i32>} : memref<32x1000xf32, #tpu.memory_space<vmem>>, vector<1x16xf32>,
        %parallel_loop3A_860 = vector.shape_cast %parallel_loop3A_859 : vector<1x16xf32> to vector<16xf32>
        %parallel_loop3A_861 = vector.shape_cast %parallel_loop3A_856 : vector<16xf32> to vector<1x16xf32>
        tpu.vector_store %arg8[%parallel_loop3A_857, %parallel_loop3A_858], %parallel_loop3A_861 {strides = array<i32>} : memref<32x1000xf32, #tpu.memory_space<vmem>>, vector<1x16xf32>,
        %parallel_loop3A_862 = arith.index_cast %parallel_loop3A_91 : i32 to index
        %parallel_loop3A_863 = arith.constant 880 : index
        %parallel_loop3A_864 = tpu.vector_load %arg8[%parallel_loop3A_862, %parallel_loop3A_863] {strides = array<i32>} : memref<32x1000xf32, #tpu.memory_space<vmem>>, vector<1x16xf32>,
        %parallel_loop3A_865 = vector.shape_cast %parallel_loop3A_864 : vector<1x16xf32> to vector<16xf32>
        %parallel_loop3A_866 = arith.index_cast %parallel_loop3A_91 : i32 to index
        %parallel_loop3A_867 = arith.constant 880 : index
        %parallel_loop3A_868 = tpu.vector_load %arg9[%parallel_loop3A_866, %parallel_loop3A_867] {strides = array<i32>} : memref<25x1000xf32, #tpu.memory_space<vmem>>, vector<1x16xf32>,
        %parallel_loop3A_869 = vector.shape_cast %parallel_loop3A_868 : vector<1x16xf32> to vector<16xf32>
        %parallel_loop3A_870 = arith.addf %parallel_loop3A_865, %parallel_loop3A_869 : vector<16xf32>
        %parallel_loop3A_871 = arith.index_cast %parallel_loop3A_91 : i32 to index
        %parallel_loop3A_872 = arith.constant 880 : index
        %parallel_loop3A_873 = tpu.vector_load %arg8[%parallel_loop3A_871, %parallel_loop3A_872] {strides = array<i32>} : memref<32x1000xf32, #tpu.memory_space<vmem>>, vector<1x16xf32>,
        %parallel_loop3A_874 = vector.shape_cast %parallel_loop3A_873 : vector<1x16xf32> to vector<16xf32>
        %parallel_loop3A_875 = vector.shape_cast %parallel_loop3A_870 : vector<16xf32> to vector<1x16xf32>
        tpu.vector_store %arg8[%parallel_loop3A_871, %parallel_loop3A_872], %parallel_loop3A_875 {strides = array<i32>} : memref<32x1000xf32, #tpu.memory_space<vmem>>, vector<1x16xf32>,
        %parallel_loop3A_876 = arith.index_cast %parallel_loop3A_91 : i32 to index
        %parallel_loop3A_877 = arith.constant 896 : index
        %parallel_loop3A_878 = tpu.vector_load %arg8[%parallel_loop3A_876, %parallel_loop3A_877] {strides = array<i32>} : memref<32x1000xf32, #tpu.memory_space<vmem>>, vector<1x16xf32>,
        %parallel_loop3A_879 = vector.shape_cast %parallel_loop3A_878 : vector<1x16xf32> to vector<16xf32>
        %parallel_loop3A_880 = arith.index_cast %parallel_loop3A_91 : i32 to index
        %parallel_loop3A_881 = arith.constant 896 : index
        %parallel_loop3A_882 = tpu.vector_load %arg9[%parallel_loop3A_880, %parallel_loop3A_881] {strides = array<i32>} : memref<25x1000xf32, #tpu.memory_space<vmem>>, vector<1x16xf32>,
        %parallel_loop3A_883 = vector.shape_cast %parallel_loop3A_882 : vector<1x16xf32> to vector<16xf32>
        %parallel_loop3A_884 = arith.addf %parallel_loop3A_879, %parallel_loop3A_883 : vector<16xf32>
        %parallel_loop3A_885 = arith.index_cast %parallel_loop3A_91 : i32 to index
        %parallel_loop3A_886 = arith.constant 896 : index
        %parallel_loop3A_887 = tpu.vector_load %arg8[%parallel_loop3A_885, %parallel_loop3A_886] {strides = array<i32>} : memref<32x1000xf32, #tpu.memory_space<vmem>>, vector<1x16xf32>,
        %parallel_loop3A_888 = vector.shape_cast %parallel_loop3A_887 : vector<1x16xf32> to vector<16xf32>
        %parallel_loop3A_889 = vector.shape_cast %parallel_loop3A_884 : vector<16xf32> to vector<1x16xf32>
        tpu.vector_store %arg8[%parallel_loop3A_885, %parallel_loop3A_886], %parallel_loop3A_889 {strides = array<i32>} : memref<32x1000xf32, #tpu.memory_space<vmem>>, vector<1x16xf32>,
        %parallel_loop3A_890 = arith.index_cast %parallel_loop3A_91 : i32 to index
        %parallel_loop3A_891 = arith.constant 912 : index
        %parallel_loop3A_892 = tpu.vector_load %arg8[%parallel_loop3A_890, %parallel_loop3A_891] {strides = array<i32>} : memref<32x1000xf32, #tpu.memory_space<vmem>>, vector<1x16xf32>,
        %parallel_loop3A_893 = vector.shape_cast %parallel_loop3A_892 : vector<1x16xf32> to vector<16xf32>
        %parallel_loop3A_894 = arith.index_cast %parallel_loop3A_91 : i32 to index
        %parallel_loop3A_895 = arith.constant 912 : index
        %parallel_loop3A_896 = tpu.vector_load %arg9[%parallel_loop3A_894, %parallel_loop3A_895] {strides = array<i32>} : memref<25x1000xf32, #tpu.memory_space<vmem>>, vector<1x16xf32>,
        %parallel_loop3A_897 = vector.shape_cast %parallel_loop3A_896 : vector<1x16xf32> to vector<16xf32>
        %parallel_loop3A_898 = arith.addf %parallel_loop3A_893, %parallel_loop3A_897 : vector<16xf32>
        %parallel_loop3A_899 = arith.index_cast %parallel_loop3A_91 : i32 to index
        %parallel_loop3A_900 = arith.constant 912 : index
        %parallel_loop3A_901 = tpu.vector_load %arg8[%parallel_loop3A_899, %parallel_loop3A_900] {strides = array<i32>} : memref<32x1000xf32, #tpu.memory_space<vmem>>, vector<1x16xf32>,
        %parallel_loop3A_902 = vector.shape_cast %parallel_loop3A_901 : vector<1x16xf32> to vector<16xf32>
        %parallel_loop3A_903 = vector.shape_cast %parallel_loop3A_898 : vector<16xf32> to vector<1x16xf32>
        tpu.vector_store %arg8[%parallel_loop3A_899, %parallel_loop3A_900], %parallel_loop3A_903 {strides = array<i32>} : memref<32x1000xf32, #tpu.memory_space<vmem>>, vector<1x16xf32>,
        %parallel_loop3A_904 = arith.index_cast %parallel_loop3A_91 : i32 to index
        %parallel_loop3A_905 = arith.constant 928 : index
        %parallel_loop3A_906 = tpu.vector_load %arg8[%parallel_loop3A_904, %parallel_loop3A_905] {strides = array<i32>} : memref<32x1000xf32, #tpu.memory_space<vmem>>, vector<1x16xf32>,
        %parallel_loop3A_907 = vector.shape_cast %parallel_loop3A_906 : vector<1x16xf32> to vector<16xf32>
        %parallel_loop3A_908 = arith.index_cast %parallel_loop3A_91 : i32 to index
        %parallel_loop3A_909 = arith.constant 928 : index
        %parallel_loop3A_910 = tpu.vector_load %arg9[%parallel_loop3A_908, %parallel_loop3A_909] {strides = array<i32>} : memref<25x1000xf32, #tpu.memory_space<vmem>>, vector<1x16xf32>,
        %parallel_loop3A_911 = vector.shape_cast %parallel_loop3A_910 : vector<1x16xf32> to vector<16xf32>
        %parallel_loop3A_912 = arith.addf %parallel_loop3A_907, %parallel_loop3A_911 : vector<16xf32>
        %parallel_loop3A_913 = arith.index_cast %parallel_loop3A_91 : i32 to index
        %parallel_loop3A_914 = arith.constant 928 : index
        %parallel_loop3A_915 = tpu.vector_load %arg8[%parallel_loop3A_913, %parallel_loop3A_914] {strides = array<i32>} : memref<32x1000xf32, #tpu.memory_space<vmem>>, vector<1x16xf32>,
        %parallel_loop3A_916 = vector.shape_cast %parallel_loop3A_915 : vector<1x16xf32> to vector<16xf32>
        %parallel_loop3A_917 = vector.shape_cast %parallel_loop3A_912 : vector<16xf32> to vector<1x16xf32>
        tpu.vector_store %arg8[%parallel_loop3A_913, %parallel_loop3A_914], %parallel_loop3A_917 {strides = array<i32>} : memref<32x1000xf32, #tpu.memory_space<vmem>>, vector<1x16xf32>,
        %parallel_loop3A_918 = arith.index_cast %parallel_loop3A_91 : i32 to index
        %parallel_loop3A_919 = arith.constant 944 : index
        %parallel_loop3A_920 = tpu.vector_load %arg8[%parallel_loop3A_918, %parallel_loop3A_919] {strides = array<i32>} : memref<32x1000xf32, #tpu.memory_space<vmem>>, vector<1x16xf32>,
        %parallel_loop3A_921 = vector.shape_cast %parallel_loop3A_920 : vector<1x16xf32> to vector<16xf32>
        %parallel_loop3A_922 = arith.index_cast %parallel_loop3A_91 : i32 to index
        %parallel_loop3A_923 = arith.constant 944 : index
        %parallel_loop3A_924 = tpu.vector_load %arg9[%parallel_loop3A_922, %parallel_loop3A_923] {strides = array<i32>} : memref<25x1000xf32, #tpu.memory_space<vmem>>, vector<1x16xf32>,
        %parallel_loop3A_925 = vector.shape_cast %parallel_loop3A_924 : vector<1x16xf32> to vector<16xf32>
        %parallel_loop3A_926 = arith.addf %parallel_loop3A_921, %parallel_loop3A_925 : vector<16xf32>
        %parallel_loop3A_927 = arith.index_cast %parallel_loop3A_91 : i32 to index
        %parallel_loop3A_928 = arith.constant 944 : index
        %parallel_loop3A_929 = tpu.vector_load %arg8[%parallel_loop3A_927, %parallel_loop3A_928] {strides = array<i32>} : memref<32x1000xf32, #tpu.memory_space<vmem>>, vector<1x16xf32>,
        %parallel_loop3A_930 = vector.shape_cast %parallel_loop3A_929 : vector<1x16xf32> to vector<16xf32>
        %parallel_loop3A_931 = vector.shape_cast %parallel_loop3A_926 : vector<16xf32> to vector<1x16xf32>
        tpu.vector_store %arg8[%parallel_loop3A_927, %parallel_loop3A_928], %parallel_loop3A_931 {strides = array<i32>} : memref<32x1000xf32, #tpu.memory_space<vmem>>, vector<1x16xf32>,
        %parallel_loop3A_932 = arith.index_cast %parallel_loop3A_91 : i32 to index
        %parallel_loop3A_933 = arith.constant 960 : index
        %parallel_loop3A_934 = tpu.vector_load %arg8[%parallel_loop3A_932, %parallel_loop3A_933] {strides = array<i32>} : memref<32x1000xf32, #tpu.memory_space<vmem>>, vector<1x16xf32>,
        %parallel_loop3A_935 = vector.shape_cast %parallel_loop3A_934 : vector<1x16xf32> to vector<16xf32>
        %parallel_loop3A_936 = arith.index_cast %parallel_loop3A_91 : i32 to index
        %parallel_loop3A_937 = arith.constant 960 : index
        %parallel_loop3A_938 = tpu.vector_load %arg9[%parallel_loop3A_936, %parallel_loop3A_937] {strides = array<i32>} : memref<25x1000xf32, #tpu.memory_space<vmem>>, vector<1x16xf32>,
        %parallel_loop3A_939 = vector.shape_cast %parallel_loop3A_938 : vector<1x16xf32> to vector<16xf32>
        %parallel_loop3A_940 = arith.addf %parallel_loop3A_935, %parallel_loop3A_939 : vector<16xf32>
        %parallel_loop3A_941 = arith.index_cast %parallel_loop3A_91 : i32 to index
        %parallel_loop3A_942 = arith.constant 960 : index
        %parallel_loop3A_943 = tpu.vector_load %arg8[%parallel_loop3A_941, %parallel_loop3A_942] {strides = array<i32>} : memref<32x1000xf32, #tpu.memory_space<vmem>>, vector<1x16xf32>,
        %parallel_loop3A_944 = vector.shape_cast %parallel_loop3A_943 : vector<1x16xf32> to vector<16xf32>
        %parallel_loop3A_945 = vector.shape_cast %parallel_loop3A_940 : vector<16xf32> to vector<1x16xf32>
        tpu.vector_store %arg8[%parallel_loop3A_941, %parallel_loop3A_942], %parallel_loop3A_945 {strides = array<i32>} : memref<32x1000xf32, #tpu.memory_space<vmem>>, vector<1x16xf32>,
        %parallel_loop3A_946 = arith.index_cast %parallel_loop3A_91 : i32 to index
        %parallel_loop3A_947 = arith.constant 976 : index
        %parallel_loop3A_948 = tpu.vector_load %arg8[%parallel_loop3A_946, %parallel_loop3A_947] {strides = array<i32>} : memref<32x1000xf32, #tpu.memory_space<vmem>>, vector<1x16xf32>,
        %parallel_loop3A_949 = vector.shape_cast %parallel_loop3A_948 : vector<1x16xf32> to vector<16xf32>
        %parallel_loop3A_950 = arith.index_cast %parallel_loop3A_91 : i32 to index
        %parallel_loop3A_951 = arith.constant 976 : index
        %parallel_loop3A_952 = tpu.vector_load %arg9[%parallel_loop3A_950, %parallel_loop3A_951] {strides = array<i32>} : memref<25x1000xf32, #tpu.memory_space<vmem>>, vector<1x16xf32>,
        %parallel_loop3A_953 = vector.shape_cast %parallel_loop3A_952 : vector<1x16xf32> to vector<16xf32>
        %parallel_loop3A_954 = arith.addf %parallel_loop3A_949, %parallel_loop3A_953 : vector<16xf32>
        %parallel_loop3A_955 = arith.index_cast %parallel_loop3A_91 : i32 to index
        %parallel_loop3A_956 = arith.constant 976 : index
        %parallel_loop3A_957 = tpu.vector_load %arg8[%parallel_loop3A_955, %parallel_loop3A_956] {strides = array<i32>} : memref<32x1000xf32, #tpu.memory_space<vmem>>, vector<1x16xf32>,
        %parallel_loop3A_958 = vector.shape_cast %parallel_loop3A_957 : vector<1x16xf32> to vector<16xf32>
        %parallel_loop3A_959 = vector.shape_cast %parallel_loop3A_954 : vector<16xf32> to vector<1x16xf32>
        tpu.vector_store %arg8[%parallel_loop3A_955, %parallel_loop3A_956], %parallel_loop3A_959 {strides = array<i32>} : memref<32x1000xf32, #tpu.memory_space<vmem>>, vector<1x16xf32>,
        %parallel_loop3A_960 = arith.index_cast %parallel_loop3A_91 : i32 to index
        %parallel_loop3A_961 = arith.constant 984 : index
        %parallel_loop3A_962 = tpu.vector_load %arg8[%parallel_loop3A_960, %parallel_loop3A_961] {strides = array<i32>} : memref<32x1000xf32, #tpu.memory_space<vmem>>, vector<1x16xf32>,
        %parallel_loop3A_963 = vector.shape_cast %parallel_loop3A_962 : vector<1x16xf32> to vector<16xf32>
        %parallel_loop3A_964 = arith.index_cast %parallel_loop3A_91 : i32 to index
        %parallel_loop3A_965 = arith.constant 0 : index
        %parallel_loop3A_966 = tpu.vector_load %arg10[%parallel_loop3A_964, %parallel_loop3A_965] {strides = array<i32>} : memref<25x16xf32, #tpu.memory_space<vmem>>, vector<1x16xf32>,
        %parallel_loop3A_967 = vector.shape_cast %parallel_loop3A_966 : vector<1x16xf32> to vector<16xf32>
        %parallel_loop3A_968 = arith.addf %parallel_loop3A_963, %parallel_loop3A_967 : vector<16xf32>
        %parallel_loop3A_969 = arith.index_cast %parallel_loop3A_91 : i32 to index
        %parallel_loop3A_970 = arith.constant 984 : index
        %parallel_loop3A_971 = tpu.vector_load %arg8[%parallel_loop3A_969, %parallel_loop3A_970] {strides = array<i32>} : memref<32x1000xf32, #tpu.memory_space<vmem>>, vector<1x16xf32>,
        %parallel_loop3A_972 = vector.shape_cast %parallel_loop3A_971 : vector<1x16xf32> to vector<16xf32>
        %parallel_loop3A_973 = vector.shape_cast %parallel_loop3A_968 : vector<16xf32> to vector<1x16xf32>
        tpu.vector_store %arg8[%parallel_loop3A_969, %parallel_loop3A_970], %parallel_loop3A_973 {strides = array<i32>} : memref<32x1000xf32, #tpu.memory_space<vmem>>, vector<1x16xf32>,
      } {sc.loop_unroll_factor = 2 : i64, sc.parallel_access}
      %mul3A_55 = arith.constant 4 : i32
      %mul3A_56 = arith.muli %select_n3A, %mul3A_55 : i32
      %add3A_57 = arith.addi %mul3A_56, %scan3A_42 : i32
      %mul3A_58 = arith.constant 50 : i32
      %mul3A_59 = arith.muli %add3A_57, %mul3A_58 : i32
      %mul3A_60 = arith.constant 25 : i32
      %mul3A_61 = arith.muli %select_n3A_30, %mul3A_60 : i32
      %add3A_62 = arith.addi %mul3A_59, %mul3A_61 : i32
      %dma_start3A_63 = arith.constant 0 : i32
      %dma_start3A_64 = arith.constant 0 : i32
      %dma_start3A_65 = tpu.memref_slice %arg8[%dma_start3A_63, %dma_start3A_64] : memref<32x1000xf32, #tpu.memory_space<vmem>> -> memref<25x1000xf32, #tpu.memory_space<vmem>>
      %dma_start3A_66 = arith.constant 0 : i32
      %dma_start3A_67 = tpu.memref_slice %arg6[%add3A_62, %dma_start3A_66] : memref<3200x1000xf32, #tpu.memory_space<hbm>> -> memref<25x1000xf32, #tpu.memory_space<hbm>>
      %dma_start3A_68 = arith.constant 0 : i32
      %dma_start3A_69 = tpu.memref_slice %arg6[%add3A_62, %dma_start3A_68] : memref<3200x1000xf32, #tpu.memory_space<hbm>> -> memref<25x1000xf32, #tpu.memory_space<hbm>>
      %dma_start3A_70 = arith.constant 0 : i32
      %dma_start3A_71 = arith.constant 0 : i32
      %dma_start3A_72 = tpu.memref_slice %arg8[%dma_start3A_70, %dma_start3A_71] : memref<32x1000xf32, #tpu.memory_space<vmem>> -> memref<25x1000xf32, #tpu.memory_space<vmem>>
      tpu.enqueue_dma source(%dma_start3A_72 : memref<25x1000xf32, #tpu.memory_space<vmem>>) target(%dma_start3A_69 : memref<25x1000xf32, #tpu.memory_space<hbm>>) target_semaphore(%arg12 : memref<!tpu.dma_semaphore, #tpu.memory_space<semaphore_mem>>)
      %mul3A_73 = arith.constant 4 : i32
      %mul3A_74 = arith.muli %select_n3A, %mul3A_73 : i32
      %add3A_75 = arith.addi %mul3A_74, %scan3A_42 : i32
      %mul3A_76 = arith.constant 50 : i32
      %mul3A_77 = arith.muli %add3A_75, %mul3A_76 : i32
      %mul3A_78 = arith.constant 25 : i32
      %mul3A_79 = arith.muli %select_n3A_30, %mul3A_78 : i32
      %add3A_80 = arith.addi %mul3A_77, %mul3A_79 : i32
      %dma_wait3A_81 = arith.constant 0 : i32
      %dma_wait3A_82 = arith.constant 0 : i32
      %dma_wait3A_83 = tpu.memref_slice %arg8[%dma_wait3A_81, %dma_wait3A_82] : memref<32x1000xf32, #tpu.memory_space<vmem>> -> memref<25x1000xf32, #tpu.memory_space<vmem>>
      %dma_wait3A_84 = arith.constant 0 : i32
      %dma_wait3A_85 = tpu.memref_slice %arg6[%add3A_80, %dma_wait3A_84] : memref<3200x1000xf32, #tpu.memory_space<hbm>> -> memref<25x1000xf32, #tpu.memory_space<hbm>>
      %dma_wait3A_86 = arith.constant 0 : i32
      %dma_wait3A_87 = tpu.memref_slice %arg6[%add3A_80, %dma_wait3A_86] : memref<3200x1000xf32, #tpu.memory_space<hbm>> -> memref<25x1000xf32, #tpu.memory_space<hbm>>
      %dma_wait3A_88 = arith.constant 0 : i32
      %dma_wait3A_89 = arith.constant 0 : i32
      %dma_wait3A_90 = tpu.memref_slice %arg8[%dma_wait3A_88, %dma_wait3A_89] : memref<32x1000xf32, #tpu.memory_space<vmem>> -> memref<25x1000xf32, #tpu.memory_space<vmem>>
      tpu.wait_dma2 semaphore(%arg12 : memref<!tpu.dma_semaphore, #tpu.memory_space<semaphore_mem>>) src(%dma_wait3A_90 : memref<25x1000xf32, #tpu.memory_space<vmem>>) dst(%dma_wait3A_87 : memref<25x1000xf32, #tpu.memory_space<hbm>>)
    }
    %scan3A_41 = arith.constant 4 : i32
    return
  }
}

module attributes {stable_mosaic.version = 14 : i64} {
  func.func @_precompute_body(%arg0: memref<1024x50xi32, #tpu.memory_space<vmem>>, %arg1: memref<1000x128xf32, #tpu.memory_space<vmem>>, %arg2: memref<50x128xf32, #tpu.memory_space<vmem>>, %arg3: memref<1000x128xf32, #tpu.memory_space<vmem>>, %arg4: memref<1x1000xf32, #tpu.memory_space<vmem>>, %arg5: memref<1000x1000xf32, #tpu.memory_space<vmem>>, %arg6: memref<1000x1000xbf16, #tpu.memory_space<vmem>>, %arg7: memref<50x1000xf32, #tpu.memory_space<vmem>>, %arg8: memref<200x1000xf32, #tpu.memory_space<vmem>>, %arg9: memref<50x16xf32, #tpu.memory_space<vmem>>, %arg10: memref<2x64x32xi32, #tpu.memory_space<vmem>>) attributes {dimension_semantics = [], scalar_prefetch = 0 : i64, scratch_operands = 0 : i64, tpu.core_type = #tpu.core_type<tc>} {
    %get3A = arith.constant 0 : index
    %get3A_0 = arith.constant 0 : index
    %get3A_1 = vector.load %arg1[%get3A, %get3A_0] : memref<1000x128xf32, #tpu.memory_space<vmem>>, vector<1000x128xf32>
    %get3A_2 = arith.constant 0 : index
    %get3A_3 = arith.constant 0 : index
    %get3A_4 = vector.load %arg3[%get3A_2, %get3A_3] : memref<1000x128xf32, #tpu.memory_space<vmem>>, vector<1000x128xf32>
    %dot_general3A = arith.constant dense<0.000000e+00> : vector<1000x1000xf32>
    %dot_general3A_5 = tpu.matmul %get3A_1, %get3A_4, %dot_general3A {dimension_numbers = #tpu.dot_dimension_numbers<[1], [1], [0], [0], [0, 0, 1, 0], [], []>, transpose_lhs_hint = false} : vector<1000x128xf32>, vector<1000x128xf32>, vector<1000x1000xf32> -> vector<1000x1000xf32>
    %swap3A = arith.constant 0 : index
    %swap3A_6 = arith.constant 0 : index
    %swap3A_7 = vector.load %arg5[%swap3A, %swap3A_6] : memref<1000x1000xf32, #tpu.memory_space<vmem>>, vector<1000x1000xf32>
    tpu.vector_store %arg5[%swap3A, %swap3A_6], %dot_general3A_5 {strides = array<i32>} : memref<1000x1000xf32, #tpu.memory_space<vmem>>, vector<1000x1000xf32>,
    %convert_element_type3A = arith.truncf %dot_general3A_5 : vector<1000x1000xf32> to vector<1000x1000xbf16>
    %swap3A_8 = arith.constant 0 : index
    %swap3A_9 = arith.constant 0 : index
    %swap3A_10 = vector.load %arg6[%swap3A_8, %swap3A_9] : memref<1000x1000xbf16, #tpu.memory_space<vmem>>, vector<1000x1000xbf16>
    tpu.vector_store %arg6[%swap3A_8, %swap3A_9], %convert_element_type3A {strides = array<i32>} : memref<1000x1000xbf16, #tpu.memory_space<vmem>>, vector<1000x1000xbf16>,
    %get3A_11 = arith.constant 0 : index
    %get3A_12 = arith.constant 0 : index
    %get3A_13 = vector.load %arg2[%get3A_11, %get3A_12] : memref<50x128xf32, #tpu.memory_space<vmem>>, vector<50x128xf32>
    %get3A_14 = arith.constant 0 : index
    %get3A_15 = arith.constant 0 : index
    %get3A_16 = vector.load %arg3[%get3A_14, %get3A_15] : memref<1000x128xf32, #tpu.memory_space<vmem>>, vector<1000x128xf32>
    %dot_general3A_17 = arith.constant dense<0.000000e+00> : vector<50x1000xf32>
    %dot_general3A_18 = tpu.matmul %get3A_13, %get3A_16, %dot_general3A_17 {dimension_numbers = #tpu.dot_dimension_numbers<[1], [1], [0], [0], [0, 0, 1, 0], [], []>, transpose_lhs_hint = false} : vector<50x128xf32>, vector<1000x128xf32>, vector<50x1000xf32> -> vector<50x1000xf32>
    %get3A_19 = arith.constant 0 : index
    %get3A_20 = arith.constant 0 : index
    %get3A_21 = vector.load %arg4[%get3A_19, %get3A_20] : memref<1x1000xf32, #tpu.memory_space<vmem>>, vector<1x1000xf32>
    %add3A = vector.broadcast %get3A_21 : vector<1x1000xf32> to vector<50x1000xf32>
    %add3A_22 = arith.addf %dot_general3A_18, %add3A : vector<50x1000xf32>
    %swap3A_23 = arith.constant 0 : index
    %swap3A_24 = arith.constant 0 : index
    %swap3A_25 = vector.load %arg7[%swap3A_23, %swap3A_24] : memref<50x1000xf32, #tpu.memory_space<vmem>>, vector<50x1000xf32>
    tpu.vector_store %arg7[%swap3A_23, %swap3A_24], %add3A_22 {strides = array<i32>} : memref<50x1000xf32, #tpu.memory_space<vmem>>, vector<50x1000xf32>,
    %concatenate3A = tpu.concatenate %add3A_22, %add3A_22, %add3A_22, %add3A_22 in 0 : vector<50x1000xf32>, vector<50x1000xf32>, vector<50x1000xf32>, vector<50x1000xf32> -> vector<200x1000xf32>
    %swap3A_26 = arith.constant 0 : index
    %swap3A_27 = arith.constant 0 : index
    %swap3A_28 = vector.load %arg8[%swap3A_26, %swap3A_27] : memref<200x1000xf32, #tpu.memory_space<vmem>>, vector<200x1000xf32>
    tpu.vector_store %arg8[%swap3A_26, %swap3A_27], %concatenate3A {strides = array<i32>} : memref<200x1000xf32, #tpu.memory_space<vmem>>, vector<200x1000xf32>,
    %broadcast_in_dim3A = arith.constant 0.000000e+00 : f32
    %broadcast_in_dim3A_29 = vector.broadcast %broadcast_in_dim3A : f32 to vector<50x8xf32>
    %slice3A = vector.extract_strided_slice %add3A_22 {offsets = [0, 992], sizes = [50, 8], strides = [1, 1]} : vector<50x1000xf32> to vector<50x8xf32>
    %concatenate3A_30 = tpu.concatenate %broadcast_in_dim3A_29, %slice3A in 1 : vector<50x8xf32>, vector<50x8xf32> -> vector<50x16xf32>
    %swap3A_31 = arith.constant 0 : index
    %swap3A_32 = arith.constant 0 : index
    %swap3A_33 = vector.load %arg9[%swap3A_31, %swap3A_32] : memref<50x16xf32, #tpu.memory_space<vmem>>, vector<50x16xf32>
    tpu.vector_store %arg9[%swap3A_31, %swap3A_32], %concatenate3A_30 {strides = array<i32>} : memref<50x16xf32, #tpu.memory_space<vmem>>, vector<50x16xf32>,
    %get3A_34 = arith.constant 0 : index
    %get3A_35 = arith.constant 0 : index
    %get3A_36 = vector.load %arg0[%get3A_34, %get3A_35] : memref<1024x50xi32, #tpu.memory_space<vmem>>, vector<1024x50xi32>
    %broadcast_in_dim3A_37 = arith.constant 0 : i32
    %broadcast_in_dim3A_38 = vector.broadcast %broadcast_in_dim3A_37 : i32 to vector<64x7xi32>
    %slice3A_39 = vector.extract_strided_slice %get3A_36 {offsets = [0, 0], sizes = [64, 25], strides = [1, 1]} : vector<1024x50xi32> to vector<64x25xi32>
    %concatenate3A_40 = tpu.concatenate %slice3A_39, %broadcast_in_dim3A_38 in 1 : vector<64x25xi32>, vector<64x7xi32> -> vector<64x32xi32>
    %swap3A_41 = arith.constant 0 : index
    %swap3A_42 = arith.constant 0 : index
    %swap3A_43 = arith.constant 0 : index
    %swap3A_44 = vector.load %arg10[%swap3A_41, %swap3A_42, %swap3A_43] : memref<2x64x32xi32, #tpu.memory_space<vmem>>, vector<1x64x32xi32>
    %swap3A_45 = vector.shape_cast %swap3A_44 : vector<1x64x32xi32> to vector<64x32xi32>
    %swap3A_46 = vector.shape_cast %concatenate3A_40 : vector<64x32xi32> to vector<1x64x32xi32>
    tpu.vector_store %arg10[%swap3A_41, %swap3A_42, %swap3A_43], %swap3A_46 {strides = array<i32>} : memref<2x64x32xi32, #tpu.memory_space<vmem>>, vector<1x64x32xi32>,
    %slice3A_47 = vector.extract_strided_slice %get3A_36 {offsets = [0, 25], sizes = [64, 25], strides = [1, 1]} : vector<1024x50xi32> to vector<64x25xi32>
    %concatenate3A_48 = tpu.concatenate %slice3A_47, %broadcast_in_dim3A_38 in 1 : vector<64x25xi32>, vector<64x7xi32> -> vector<64x32xi32>
    %swap3A_49 = arith.constant 1 : index
    %swap3A_50 = arith.constant 0 : index
    %swap3A_51 = arith.constant 0 : index
    %swap3A_52 = vector.load %arg10[%swap3A_49, %swap3A_50, %swap3A_51] : memref<2x64x32xi32, #tpu.memory_space<vmem>>, vector<1x64x32xi32>
    %swap3A_53 = vector.shape_cast %swap3A_52 : vector<1x64x32xi32> to vector<64x32xi32>
    %swap3A_54 = vector.shape_cast %concatenate3A_48 : vector<64x32xi32> to vector<1x64x32xi32>
    tpu.vector_store %arg10[%swap3A_49, %swap3A_50, %swap3A_51], %swap3A_54 {strides = array<i32>} : memref<2x64x32xi32, #tpu.memory_space<vmem>>, vector<1x64x32xi32>,
    return
  }
}

module attributes {stable_mosaic.version = 14 : i64} {
  func.func @_onehot_body(%arg0: i32, %arg1: memref<1x1x200xi32, #tpu.memory_space<vmem>>, %arg2: memref<1000x1000xbf16, #tpu.memory_space<vmem>>, %arg3: memref<200x1000xf32, #tpu.memory_space<vmem>>, %arg4: memref<200x1000xf32, #tpu.memory_space<vmem>>) attributes {dimension_semantics = [#tpu.dimension_semantics<arbitrary>], iteration_bounds = array<i64: 240>, scalar_prefetch = 0 : i64, scratch_operands = 0 : i64, tpu.core_type = #tpu.core_type<tc>, window_params = [{transform_indices = @transform_0, window_bounds = array<i64: 1, 1, 200>}, {pipeline_mode = #tpu.pipeline_mode<synchronous>, transform_indices = @transform_1, window_bounds = array<i64: 1000, 1000>}, {pipeline_mode = #tpu.pipeline_mode<synchronous>, transform_indices = @transform_2, window_bounds = array<i64: 200, 1000>}, {transform_indices = @transform_3, window_bounds = array<i64: 200, 1000>}]} {
    %get3A = arith.constant 0 : index
    %get3A_0 = arith.constant 0 : index
    %get3A_1 = arith.constant 0 : index
    %get3A_2 = vector.load %arg1[%get3A, %get3A_0, %get3A_1] : memref<1x1x200xi32, #tpu.memory_space<vmem>>, vector<1x1x200xi32>
    %get3A_3 = vector.shape_cast %get3A_2 : vector<1x1x200xi32> to vector<1x200xi32>
    %iota3A = tpu.iota {dimensions = array<i32: 0>} : vector<1000x200xi32>
    %eq3A = vector.broadcast %get3A_3 : vector<1x200xi32> to vector<1000x200xi32>
    %eq3A_4 = arith.cmpi eq, %iota3A, %eq3A : vector<1000x200xi32>
    %convert_element_type3A = arith.extui %eq3A_4 : vector<1000x200xi1> to vector<1000x200xi32>
    %convert_element_type3A_5 = arith.sitofp %convert_element_type3A : vector<1000x200xi32> to vector<1000x200xf32>
    %convert_element_type3A_6 = arith.truncf %convert_element_type3A_5 : vector<1000x200xf32> to vector<1000x200xbf16>
    %get3A_7 = arith.constant 0 : index
    %get3A_8 = arith.constant 0 : index
    %get3A_9 = vector.load %arg2[%get3A_7, %get3A_8] : memref<1000x1000xbf16, #tpu.memory_space<vmem>>, vector<1000x1000xbf16>
    %dot_general3A = arith.constant dense<0.000000e+00> : vector<200x1000xf32>
    %dot_general3A_10 = tpu.matmul %convert_element_type3A_6, %get3A_9, %dot_general3A {dimension_numbers = #tpu.dot_dimension_numbers<[0], [0], [1], [1], [0, 1, 1, 1], [], []>, transpose_lhs_hint = false} : vector<1000x200xbf16>, vector<1000x1000xbf16>, vector<200x1000xf32> -> vector<200x1000xf32>
    %get3A_11 = arith.constant 0 : index
    %get3A_12 = arith.constant 0 : index
    %get3A_13 = vector.load %arg3[%get3A_11, %get3A_12] : memref<200x1000xf32, #tpu.memory_space<vmem>>, vector<200x1000xf32>
    %add3A = arith.addf %dot_general3A_10, %get3A_13 : vector<200x1000xf32>
    %swap3A = arith.constant 0 : index
    %swap3A_14 = arith.constant 0 : index
    %swap3A_15 = vector.load %arg4[%swap3A, %swap3A_14] : memref<200x1000xf32, #tpu.memory_space<vmem>>, vector<200x1000xf32>
    tpu.vector_store %arg4[%swap3A, %swap3A_14], %add3A {strides = array<i32>} : memref<200x1000xf32, #tpu.memory_space<vmem>>, vector<200x1000xf32>,
    return
  }
  func.func @transform_0(%arg0: i32) -> (i32, i32, i32) {
    %add3A = arith.constant 16 : i32
    %add3A_0 = arith.addi %arg0, %add3A : i32
    %c0_i32 = arith.constant 0 : i32
    %c0_i32_1 = arith.constant 0 : i32
    %c0_i32_2 = arith.constant 0 : i32
    return %add3A_0, %c0_i32, %c0_i32_1 : i32, i32, i32
  }
  func.func @transform_1(%arg0: i32) -> (i32, i32) {
    %c0_i32 = arith.constant 0 : i32
    %c0_i32_0 = arith.constant 0 : i32
    %c0_i32_1 = arith.constant 0 : i32
    return %c0_i32, %c0_i32_0 : i32, i32
  }
  func.func @transform_2(%arg0: i32) -> (i32, i32) {
    %c0_i32 = arith.constant 0 : i32
    %c0_i32_0 = arith.constant 0 : i32
    %c0_i32_1 = arith.constant 0 : i32
    return %c0_i32, %c0_i32_0 : i32, i32
  }
  func.func @transform_3(%arg0: i32) -> (i32, i32) {
    %add3A = arith.constant 16 : i32
    %add3A_0 = arith.addi %arg0, %add3A : i32
    %c0_i32 = arith.constant 0 : i32
    %c0_i32_1 = arith.constant 0 : i32
    return %add3A_0, %c0_i32 : i32, i32
  }
}

</mosaic_0001>

<sc_bundles>
// kernel: kernel.5.cloned.1.call-start
scs
__scs_entry_jumppad:
0x0: {  	(pc) =	sbr.rel $0x88, $3  }
0x1: {  	(tag) =	ssettag $0x0;
	lr =	simm.s32 $0x1  }
0x2: {  	[smem:$0x3F9C] =	sst lr;
	_ =	strace $0xD0000000  }
0x3: {  	_ = 	snop  }
0x4: {  	_ = 	snop  }
0x5: {  	_ = 	snop  }
0x6: {  	_ = 	snop  }
0x7: {  	_ = 	snop  }
__scs_overlays_trampoline_lowered:
0x8: {  	[smem:$0x3FAB] =	sst s0  }
0x9: {  	[smem:$0x3FAC] =	sst s1  }
0xa: {  	[smem:$0x3FAD] =	sst s2  }
0xb: {  	[smem:$0x3FAE] =	sst s3  }
0xc: {  	[smem:$0x3FAF] =	sst s4  }
0xd: {  	[smem:$0x3FB0] =	sst s5  }
0xe: {  	[smem:$0x3FB1] =	sst s6  }
0xf: {  	[smem:$0x3FB2] =	sst s7  }
0x10: {  	[smem:$0x3FB3] =	sst s8  }
0x11: {  	[smem:$0x3FB4] =	sst s9;
	s0 =	simm.s32 @!p0 $0x0  }
0x12: {  	s1 =	sld [smem:$0x3F9A];
	s0 =	simm.s32 @p0 $0x1  }
0x13: {  	[smem:$0x3FB5] =	sst s0;
	s0 =	simm.s32 @!p1 $0x0  }
0x14: {  	s2 =	sld [smem:$0x3F99];
	s0 =	simm.s32 @p1 $0x1  }
0x15: {  	[smem:$0x3FB6] =	sst s0;
	s0 =	simm.s32 @!p2 $0x0  }
0x16: {  	s3 =	sld [smem:$0x3FDB];
	s0 =	simm.s32 @p2 $0x1  }
0x17: {  	s4 =	simm.s32 $0x1BF5;
	[smem:$0x3FB8] =	sst s0  }
0x18: {  	s0 =	sld [smem:$0x3F9B];
	_ =	swait.ge [sflag:s4], $0x0  }
0x19: {  	s7 =	sld [smem:$0x3F9C]  }
0x1a: {  	s8 =	sadd.s32 $0xFFFFE003, lr  }
0x1b: {  	s9 =	sadd.s32 $0xFFFFFEF7, lr;
	s5 =	simm.s32 $0xFFFFFFFF;
	p2 =	slt.u32 s8, $0xFFFFF086  }
0x1c: {  	p1 =	slt.u32 s9, $0xF7A;
	s5 =	simm.s32 @!p2 $0x0  }
0x1d: {  	s5 =	simm.s32 @p1 $0x1;
	p0 =	seq.s32 s7, s2  }
0x1e: {  	s7 =	smul.u32 @!p0 $0xF7A, s2;
	p2 =	seq.s32 @!p0 s5, $0x0  }
0x1f: {  	s9 =	smul.u32 $0xF7A, s1;
	s8 =	simm.s32 @!p0 $0x1BF5;
	p2 =	por !p2, p0  }
0x20: {  	[sflag:s8] =	ssyncset.s32 @!p0 $0xFFFFF086;
	s6 =	sadd.s32 @!p0 s3, s7;
	s7 =	simm.s32 @!p0 $0x108  }
0x21: {  	s3 =	sadd.s32 s3, s9;
	s6 =	sadd.s32 @!p0 $0x88, s6;
	s7 =	simm.s32 @p2 $0x1082  }
0x22: {  	[simem:s7], [sflag:s8] =	dma.local @!p0 [hbm:s6], $0xF7A  }
0x23: {  	s9 =	sor.u32 $0xD0000000, s2;
	s6 =	simm.s32 $0x108;
	_ =	swait.ge @!p0 [sflag:s8], $0x0  }
0x24: {  	s3 =	sadd.s32 $0x88, s3;
	s6 =	simm.s32 @!p1 $0x1082;
	[sflag:s4] =	ssyncset.s32 $0xFFFFF086  }
0x25: {  	[simem:s6], [sflag:s4] =	dma.local [hbm:s3], $0xF7A  }
0x26: {  	[smem:$0x3F9C] =	sst s1;
	(tag) =	ssettag s2;
	_ =	strace s9  }
0x27: {  	s1 =	sld [smem:$0x3FAC]  }
0x28: {  	s2 =	sld [smem:$0x3FAD]  }
0x29: {  	s4 =	sld [smem:$0x3FAF]  }
0x2a: {  	p0 =	seq.s32 s5, $0x0;
	s5 =	sld [smem:$0x3FB0]  }
0x2b: {  	s6 =	sld [smem:$0x3FB1]  }
0x2c: {  	s7 =	sld [smem:$0x3FB2]  }
0x2d: {  	s3 =	simm.s32 $0x108;
	s8 =	sld [smem:$0x3FB3]  }
0x2e: {  	s3 =	simm.s32 @!p0 $0x1082;
	s9 =	sld [smem:$0x3FB4]  }
0x2f: {  	lr =	sadd.s32 s0, s3;
	s0 =	sld [smem:$0x3FAB]  }
0x30: {  	s3 =	sld [smem:$0x3FAE]  }
0x31: {  	[smem:$0x3FB7] =	sst s10  }
0x32: {  	s10 =	sld [smem:$0x3FB5];
	_ =	sdelay $0x3  }
0x33: {  	p0 =	seq.s32 s10, $0x1;
	s10 =	sld [smem:$0x3FB7];
	_ =	sdelay $0x3  }
0x34: {  	[smem:$0x3FB7] =	sst s10  }
0x35: {  	s10 =	sld [smem:$0x3FB6];
	_ =	sdelay $0x3  }
0x36: {  	p1 =	seq.s32 s10, $0x1;
	s10 =	sld [smem:$0x3FB7];
	_ =	sdelay $0x3  }
0x37: {  	[smem:$0x3FB7] =	sst s10  }
0x38: {  	s10 =	sld [smem:$0x3FB8]  }
0x39: {  	_ = 	snop;
	(pc) =	sbr.ind lr, $3  }
0x3a: {  	_ = 	snop  }
0x3b: {  	_ = 	snop  }
0x3c: {  	p2 =	seq.s32 s10, $0x1;
	s10 =	sld [smem:$0x3FB7]  }
0x3d: {  	_ =	shalt  }
0x3e: {  	_ =	shalt  }
0x3f: {  	_ =	shalt  }
0x40: {  	_ =	shalt  }
0x41: {  	_ =	shalt  }
0x42: {  	_ =	shalt  }
0x43: {  	_ =	shalt  }
0x44: {  	_ =	shalt  }
0x45: {  	_ =	shalt  }
0x46: {  	_ =	shalt  }
0x47: {  	_ =	shalt  }
0x48: {  	_ =	shalt  }
0x49: {  	_ =	shalt  }
0x4a: {  	_ =	shalt  }
0x4b: {  	_ =	shalt  }
0x4c: {  	_ =	shalt  }
0x4d: {  	_ =	shalt  }
0x4e: {  	_ =	shalt  }
0x4f: {  	_ =	shalt  }
0x50: {  	_ =	shalt  }
0x51: {  	_ =	shalt  }
0x52: {  	_ =	shalt  }
0x53: {  	_ =	shalt  }
0x54: {  	_ =	shalt  }
0x55: {  	_ =	shalt  }
0x56: {  	_ =	shalt  }
0x57: {  	_ =	shalt  }
0x58: {  	_ =	shalt  }
0x59: {  	_ =	shalt  }
0x5a: {  	_ =	shalt  }
0x5b: {  	_ =	shalt  }
0x5c: {  	_ =	shalt  }
0x5d: {  	_ =	shalt  }
0x5e: {  	_ =	shalt  }
0x5f: {  	_ =	shalt  }
0x60: {  	_ =	shalt  }
0x61: {  	_ =	shalt  }
0x62: {  	_ =	shalt  }
0x63: {  	_ =	shalt  }
0x64: {  	_ =	shalt  }
0x65: {  	_ =	shalt  }
0x66: {  	_ =	shalt  }
0x67: {  	_ =	shalt  }
0x68: {  	_ =	shalt  }
0x69: {  	_ =	shalt  }
0x6a: {  	_ =	shalt  }
0x6b: {  	_ =	shalt  }
0x6c: {  	_ =	shalt  }
0x6d: {  	_ =	shalt  }
0x6e: {  	_ =	shalt  }
0x6f: {  	_ =	shalt  }
0x70: {  	_ =	shalt  }
0x71: {  	_ =	shalt  }
0x72: {  	_ =	shalt  }
0x73: {  	_ =	shalt  }
0x74: {  	_ =	shalt  }
0x75: {  	_ =	shalt  }
0x76: {  	_ =	shalt  }
0x77: {  	_ =	shalt  }
0x78: {  	_ =	shalt  }
0x79: {  	_ =	shalt  }
0x7a: {  	_ =	shalt  }
0x7b: {  	_ =	shalt  }
0x7c: {  	_ =	shalt  }
0x7d: {  	_ =	shalt  }
0x7e: {  	_ =	shalt  }
0x7f: {  	_ =	shalt  }
0x80: {  	_ =	shalt  }
0x81: {  	_ =	shalt  }
0x82: {  	_ =	shalt  }
0x83: {  	_ =	shalt  }
0x84: {  	_ =	shalt  }
0x85: {  	_ =	shalt  }
0x86: {  	_ =	shalt  }
0x87: {  	_ =	shalt  }
.Lfunc_end0:
.L_simem_size_0:
called_computation.1_lowered:
.L_overlay_start_0:
0x88: {  	s2 =	sld [smem:$0x3FD9]  }
0x89: {  	s3 =	sld [smem:$0x3FFE];
	_ =	sdelay $0x1  }
0x8a: {  	s1 =	srdreg.scid  }
0x8b: {  	s0 =	sand.u32 $0x1, s1  }
0x8c: {  	s17 =	sshll.u32 s0, $0xA;
	s2 =	sadd.s32 s3, s2  }
0x8d: {  	s2 =	sadd.s32 s2, s17  }
0x8e: {  	[smem:$0x3FC3] =	sst s2  }
0x8f: {  	_ = 	snop  }
0x90: {  	s2 =	sld [smem:$0x3FD0];
	(tm) =	ssettm $0x1  }
0x91: {  	s18 =	sld [smem:$0x3FFB];
	_ =	sdelay $0x3  }
0x92: {  	_ =	strace s18  }
0x93: {  	s3 =	sld [smem:$0x3FFC];
	_ =	sdelay $0x3  }
0x94: {  	_ =	strace s3  }
0x95: {  	s3 =	sld [smem:$0x3FFD];
	_ =	sdelay $0x3  }
0x96: {  	_ =	strace s3  }
0x97: {  	_ =	strace $0x8FFFFFFF  }
0x98: {  	s19 =	sld [smem:$0x3FDB];
	_ =	sdelay $0x1  }
0x99: {  	s4 =	simm.s32 $_scs_section_size  }
0x9a: {  	s5 =	simm.s32 $_size__tile_overlayer_lowered;
	s6 =	simm.s32 $_tile_overlayer_lowered  }
0x9b: {  	s22 =	simm.s32 $0x1BFF;
	s21 =	sshll.u32 s6, $0x1;
	s3 =	sadd.s32 s4, s19  }
0x9c: {  	s7 =	simm.s32 $0x0;
	s20 =	sshll.u32 s5, $0x1;
	s5 =	sadd.s32 s21, s3  }
0x9d: {  	[timem:s7], [sflag:s22] =	dma.local [hbm:s5], s20  }
0x9e: {  	_ =	swait.ge [sflag:s22], s20  }
0x9f: {  	s4 =	ssub.s32 $0x0, s20;
	[sflag:s22] =	ssyncset.done $0x0  }
0xa0: {  	[sflag:s22] =	ssyncadd.s32 s4;
	_ =	sdelay $0x1  }
0xa1: {  	s23 =	simm.s32 $0x1B8B  }
0xa2: {  	_ =	swait.ge [sflag:s23], $0x1  }
0xa3: {  	[sflag:s23] =	ssyncset.done $0x0  }
0xa4: {  	s25 =	simm.s32 $0x1B8E;
	s24 =	sld [smem:$0x3FFE];
	[sflag:s23] =	ssyncadd.s32 $0xFFFFFFFF  }
0xa5: {  	s26 =	simm.s32 $execute0_lowered;
	[smem:$0x3FD2] =	sst s25  }
0xa6: {  	s5 =	sshll.u32 s26, $0x1;
	_ =	strace $0x80000046;
	[dreg:$0x1] =	wrdreg $0xFFFFFFFF  }
0xa7: {  	s28 =	simm.s32 $_size_execute0_lowered;
	s3 =	sadd.s32 s3, s5;
	[dreg:$0x0] =	wrdreg $0x0  }
0xa8: {  	s5 =	sshll.u32 s28, $0x1;
	[dreg:$0x2] =	wrdreg s3  }
0xa9: {  	[dreg:$0x3] =	wrdreg s5  }
0xaa: {  	[dreg:$0x4] =	wrdreg $0xC0  }
0xab: {  	_ =	task [dreg:s7], $0x5FFFF  }
0xac: {  	[dreg:$0x1] =	wrdreg $0xFFFFFFFF  }
0xad: {  	[dreg:$0x0] =	wrdreg $0x60  }
0xae: {  	[dreg:$0x2] =	wrdreg s24  }
0xaf: {  	[dreg:$0x3] =	wrdreg s2  }
0xb0: {  	[dreg:$0x4] =	wrdreg $0x9  }
0xb1: {  	_ =	task.clear_ibuf [dreg:s7], $0x5FFFF;
	_ =	strace $0x90000046  }
0xb2: {  	s29 =	simm.s32 $0x9;
	_ =	strace $0x80000048  }
0xb3: {  	_ =	swait.ge [sflag:s29], $0x1  }
0xb4: {  	[sflag:s29] =	ssyncadd.s32 $0xFFFFFFFF  }
0xb5: {  	_ =	strace $0x90000048  }
0xb6: {  	_ =	sfence  }
0xb7: {  	s30 =	sld [smem:$0x0];
	_ =	sdelay $0x2  }
0xb8: {  	s31 =	sshll.u32 s1, $0xD;
	s1 =	sshrl.u32 s1, $0x2  }
0xb9: {  	s3 =	sand.u32 $0x4000, s31;
	s1 =	sadd.s32 s1, s30  }
0xba: {  	s0 =	sor.u32 s3, s0;
	s1 =	sshll.u32 s1, $0x11  }
0xbb: {  	s0 =	sor.u32 s1, s0  }
0xbc: {  	s0 =	sadd.s32 $0x8F2B, s0  }
0xbd: {  	[sflag:s0] =	ssyncadd.remote.s32 $0x1  }
0xbe: {  	_ =	sfence.sel $0xFFFF  }
0xbf: {  	[dreg:$0x0] =	wrdreg $0xFFFFFFFF;
	(pc) =	sbr.abs _section_cstart, $3  }
0xc0: {  	[dreg:$0x1] =	wrdreg $0xFFFFFFFF  }
0xc1: {  	_ =	task.clear_ibuf [dreg:s7], $0x2FFFF;
	_ =	strace $0x9FFFFFFF  }
0xc2: {  	(tm) =	ssettm $0x7FFFFFFF  }
0xc3: {  	_ =	shalt  }
tec
execute0_lowered:
.L_overlay_start_1:
0x0: {  	(tag) =	ssettag $0x1  }
0x1: {  	s1 =	srdreg.scid;
	s6 =	rddreg [dreg:$0x0]  }
0x2: {  	s0 =	stileid.u32;
	s4 =	simm.s32 $0x1;
	s2 =	rddreg [dreg:$0x1]  }
0x3: {  	s3 =	simm.s32 $0x0;
	s14 =	simm.s32 $0xDF28;
	s8 =	sand.u32 $0x1, s1  }
0x4: {  	s15 =	simm.s32 $0x20;
	s16 =	simm.s32 $0x80;
	s1 =	sor.u32 s8, s0  }
0x5: {  	s17 =	simm.s32 $0x2;
	p1 =	seq.s32 s8, $0x1;
	p0 =	seq.s32 s1, $0x0  }
0x6: {  	s18 =	simm.s32 $0x0;
	[smem:$0x7FF] =	sst s3;
	p0 =	por !p0, !p1  }
0x7: {  	s31 =	sshll.u32 s8, $0xB;
	s9 =	smul.u32 $0xC35, s8;
	p0 =	por !p0, !p0  }
0x8: {  	s11 =	smul.u32 $0x32, s8;
	s12 =	ssub.s32 $0x2, s8;
	s4 =	simm.s32 @!p0 $0x0  }
0x9: {  	s8 =	smul.u32 $0x19, s8;
	s1 =	rddreg [dreg:$0x2];
	s7 =	ssub.s32 s0, s4  }
0xa: {  	_ =	strace $0x80000047;
	s13 =	sshrl.u32 s12, $0x1;
	s5 =	sshll.u32 s7, $0x7  }
0xb: {  	s9 =	sadd.s32 s9, s6;
	s11 =	sadd.s32 s11, s6;
	s5 =	sadd.s32 s31, s5  }
0xc: {  	s12 =	ssub.s32 s12, s13;
	s13 =	simm.s32 $0x7D80;
	s5 =	sshrl.u32 s5, $0x3  }
0xd: {  	s9 =	sadd.s32 $0x1400, s9;
	s4 =	simm.s32 $0x1;
	s10 =	sadd.s32 s5, s6  }
0xe: {  	s5 =	sadd.s32 $0x2E00, s6;
	s6 =	sshll.u32 s7, $0x2;
	s7 =	sadd.s32 $0x1200, s10  }
0xf: {  	s10 =	sadd.s32 $0x1000, s11;
	s11 =	smax.u32 s12, $0x1;
	s12 =	simm.s32 $0x3  }
.LBB2_1:
0x10: {  	[tilespmem:s3], [sflag:$0x3] =	stream.linear.gather [hbm4b:s7+s3], $0x80, $0x38;
	[tilespmem:$0xE0B8] =	vst v63  }
0x11: {  	_ =	swait.ge [sflag:s12], $0x80  }
0x12: {  	[sflag:s12] =	ssyncset.done $0x0  }
0x13: {  	[sflag:s12] =	ssyncadd.s32 $0xFFFFFF80  }
0x14: {  	[tilespmem:s13], [sflag:$0x3] =	stream.linear.gather [hbm4b:s9+s3], $0x61A8, $0x38;
	[tilespmem:$0xE0B8] =	vst v63  }
0x15: {  	_ =	swait.ge [sflag:s12], $0x61A8  }
0x16: {  	[sflag:s12] =	ssyncset.done $0x0  }
0x17: {  	[sflag:s12] =	ssyncadd.s32 $0xFFFF9E58  }
0x18: {  	[tilespmem:s14], [sflag:$0x3] =	stream.linear.gather [hbm4b:s10+s3], $0x190, $0x38;
	[tilespmem:$0xE0B8] =	vst v63  }
0x19: {  	_ =	swait.ge [sflag:s12], $0x190  }
0x1a: {  	[sflag:s12] =	ssyncset.done $0x0  }
0x1b: {  	s19 =	simm.s32 $0x0;
	[sflag:s12] =	ssyncadd.s32 $0xFFFFFE70  }
.LBB2_2:
0x1c: {  	s20 =	sshll.u32 s19, $0x5  }
0x1d: {  	s20 =	sand.u32 $0x3FFFFFE0, s20  }
0x1e: {  	[tilespmem:s16], [sflag:$0x1] =	stream.indirect.gather [hbm4b:s5+s15], $0x3E8, s20, s15, $0xb8;
	[tilespmem:$0xE0B8] =	vst v63  }
0x1f: {  	_ =	swait.ge [sflag:s4], $0x7D00  }
0x20: {  	[sflag:s4] =	ssyncset.done $0x0  }
0x21: {  	s20 =	simm.s32 $0x0;
	[sflag:s4] =	ssyncadd.s32 $0xFFFF8300  }
.LBB2_3:
0x22: {  	s21 =	smul.u32 $0x3E8, s20;
	_ =	sdelay $0x1  }
0x23: {  	v3 =	vld [tilespmem:s21+$0x80]  }
0x24: {  	v0 =	vld [tilespmem:s21+$0x7D80]  }
0x25: {  	v4 =	vld [tilespmem:s21+$0x90]  }
0x26: {  	v1 =	vld [tilespmem:s21+$0x7D90]  }
0x27: {  	v6 =	vld [tilespmem:s21+$0xA0]  }
0x28: {  	v2 =	vld [tilespmem:s21+$0x7DA0]  }
0x29: {  	v8 =	vld [tilespmem:s21+$0xB0]  }
0x2a: {  	v5 =	vld [tilespmem:s21+$0x7DB0]  }
0x2b: {  	v10 =	vld [tilespmem:s21+$0xC0]  }
0x2c: {  	v7 =	vld [tilespmem:s21+$0x7DC0]  }
0x2d: {  	v12 =	vld [tilespmem:s21+$0xD0]  }
0x2e: {  	v9 =	vld [tilespmem:s21+$0x7DD0]  }
0x2f: {  	v14 =	vld [tilespmem:s21+$0xE0]  }
0x30: {  	v11 =	vld [tilespmem:s21+$0x7DE0]  }
0x31: {  	v16 =	vld [tilespmem:s21+$0xF0]  }
0x32: {  	v13 =	vld [tilespmem:s21+$0x7DF0]  }
0x33: {  	v18 =	vld [tilespmem:s21+$0x100]  }
0x34: {  	v15 =	vld [tilespmem:s21+$0x7E00]  }
0x35: {  	v20 =	vld [tilespmem:s21+$0x110]  }
0x36: {  	v17 =	vld [tilespmem:s21+$0x7E10]  }
0x37: {  	v22 =	vld [tilespmem:s21+$0x120]  }
0x38: {  	v19 =	vld [tilespmem:s21+$0x7E20]  }
0x39: {  	v24 =	vld [tilespmem:s21+$0x130]  }
0x3a: {  	v21 =	vld [tilespmem:s21+$0x7E30]  }
0x3b: {  	v54 =	vld [tilespmem:s21+$0x140]  }
0x3c: {  	v23 =	vld [tilespmem:s21+$0x7E40]  }
0x3d: {  	v55 =	vld [tilespmem:s21+$0x150]  }
0x3e: {  	v25 =	vld [tilespmem:s21+$0x7E50]  }
0x3f: {  	v62 =	vld [tilespmem:s21+$0x160]  }
0x40: {  	v26 =	vld [tilespmem:s21+$0x7E60]  }
0x41: {  	v63 =	vld [tilespmem:s21+$0x170]  }
0x42: {  	v27 =	vld [tilespmem:s21+$0x7E70]  }
0x43: {  	v42 =	vld [tilespmem:s21+$0x180]  }
0x44: {  	v61 =	vld [tilespmem:s21+$0x280];
	_ =	sdelay $0x4  }
0x45: {  	[tilespmem:$0x1FB40] =	vst v61;
	v61 =	vld [tilespmem:s21+$0x7F80];
	_ =	sdelay $0x4  }
0x46: {  	[tilespmem:$0x1FB50] =	vst v61;
	v61 =	vld [tilespmem:s21+$0x290];
	_ =	sdelay $0x4  }
0x47: {  	[tilespmem:$0x1FB60] =	vst v61;
	v61 =	vld [tilespmem:s21+$0x7F90];
	_ =	sdelay $0x4  }
0x48: {  	[tilespmem:$0x1FB70] =	vst v61;
	v61 =	vld [tilespmem:s21+$0x2A0];
	_ =	sdelay $0x4  }
0x49: {  	[tilespmem:$0x1FB80] =	vst v61;
	v61 =	vld [tilespmem:s21+$0x7FA0];
	_ =	sdelay $0x4  }
0x4a: {  	[tilespmem:$0x1FB90] =	vst v61;
	v61 =	vld [tilespmem:s21+$0x2B0];
	_ =	sdelay $0x4  }
0x4b: {  	[tilespmem:$0x1FBA0] =	vst v61;
	v61 =	vld [tilespmem:s21+$0x7FB0];
	_ =	sdelay $0x4  }
0x4c: {  	[tilespmem:$0x1FBB0] =	vst v61;
	v61 =	vld [tilespmem:s21+$0x2C0];
	_ =	sdelay $0x4  }
0x4d: {  	[tilespmem:$0x1FBC0] =	vst v61;
	v61 =	vld [tilespmem:s21+$0x7FC0];
	_ =	sdelay $0x4  }
0x4e: {  	[tilespmem:$0x1FBD0] =	vst v61;
	v61 =	vld [tilespmem:s21+$0x2D0];
	_ =	sdelay $0x4  }
0x4f: {  	[tilespmem:$0x1FBE0] =	vst v61;
	v61 =	vld [tilespmem:s21+$0x7FD0];
	_ =	sdelay $0x4  }
0x50: {  	[tilespmem:$0x1FBF0] =	vst v61;
	v61 =	vld [tilespmem:s21+$0x2E0];
	_ =	sdelay $0x4  }
0x51: {  	[tilespmem:$0x1FC00] =	vst v61;
	v61 =	vld [tilespmem:s21+$0x7FE0];
	_ =	sdelay $0x4  }
0x52: {  	[tilespmem:$0x1FC10] =	vst v61;
	v61 =	vld [tilespmem:s21+$0x2F0];
	_ =	sdelay $0x4  }
0x53: {  	[tilespmem:$0x1FC20] =	vst v61;
	v61 =	vld [tilespmem:s21+$0x7FF0];
	_ =	sdelay $0x4  }
0x54: {  	[tilespmem:$0x1FC30] =	vst v61;
	v61 =	vld [tilespmem:s21+$0x300];
	_ =	sdelay $0x4  }
0x55: {  	[tilespmem:$0x1FC40] =	vst v61;
	v61 =	vld [tilespmem:s21+$0x8000];
	_ =	sdelay $0x4  }
0x56: {  	[tilespmem:$0x1FC50] =	vst v61;
	v61 =	vld [tilespmem:s21+$0x310];
	_ =	sdelay $0x4  }
0x57: {  	[tilespmem:$0x1FC60] =	vst v61;
	v61 =	vld [tilespmem:s21+$0x8010];
	_ =	sdelay $0x4  }
0x58: {  	[tilespmem:$0x1FC70] =	vst v61;
	v61 =	vld [tilespmem:s21+$0x320];
	_ =	sdelay $0x4  }
0x59: {  	[tilespmem:$0x1FC80] =	vst v61;
	v61 =	vld [tilespmem:s21+$0x8020];
	_ =	sdelay $0x4  }
0x5a: {  	[tilespmem:$0x1FC90] =	vst v61;
	v61 =	vld [tilespmem:s21+$0x330];
	_ =	sdelay $0x2  }
0x5b: {  	v28 =	vld [tilespmem:s21+$0x7E80]  }
0x5c: {  	v39 =	vld [tilespmem:s21+$0x190]  }
0x5d: {  	[tilespmem:$0x1FCA0] =	vst v61;
	v61 =	vld [tilespmem:s21+$0x8030]  }
0x5e: {  	v29 =	vld [tilespmem:s21+$0x7E90]  }
0x5f: {  	v32 =	vld [tilespmem:s21+$0x1A0]  }
0x60: {  	v30 =	vld [tilespmem:s21+$0x7EA0]  }
0x61: {  	v33 =	vld [tilespmem:s21+$0x1B0]  }
0x62: {  	[tilespmem:$0x1FCB0] =	vst v61;
	v61 =	vld [tilespmem:s21+$0x340]  }
0x63: {  	v31 =	vld [tilespmem:s21+$0x7EB0]  }
0x64: {  	v36 =	vld [tilespmem:s21+$0x1C0]  }
0x65: {  	v34 =	vld [tilespmem:s21+$0x7EC0]  }
0x66: {  	v38 =	vld [tilespmem:s21+$0x1D0]  }
0x67: {  	[tilespmem:$0x1FCC0] =	vst v61;
	v61 =	vld [tilespmem:s21+$0x8040]  }
0x68: {  	v35 =	vld [tilespmem:s21+$0x7ED0]  }
0x69: {  	v41 =	vld [tilespmem:s21+$0x1E0]  }
0x6a: {  	v37 =	vld [tilespmem:s21+$0x7EE0]  }
0x6b: {  	v43 =	vld [tilespmem:s21+$0x1F0]  }
0x6c: {  	[tilespmem:$0x1FCD0] =	vst v61;
	v61 =	vld [tilespmem:s21+$0x350]  }
0x6d: {  	v40 =	vld [tilespmem:s21+$0x7EF0]  }
0x6e: {  	v46 =	vld [tilespmem:s21+$0x200]  }
0x6f: {  	v44 =	vld [tilespmem:s21+$0x7F00]  }
0x70: {  	v47 =	vld [tilespmem:s21+$0x210]  }
0x71: {  	[tilespmem:$0x1FCE0] =	vst v61;
	v61 =	vld [tilespmem:s21+$0x8050]  }
0x72: {  	v45 =	vld [tilespmem:s21+$0x7F10]  }
0x73: {  	v50 =	vld [tilespmem:s21+$0x220]  }
0x74: {  	v48 =	vld [tilespmem:s21+$0x7F20]  }
0x75: {  	v52 =	vld [tilespmem:s21+$0x230]  }
0x76: {  	[tilespmem:$0x1FCF0] =	vst v61;
	v61 =	vld [tilespmem:s21+$0x360]  }
0x77: {  	v49 =	vld [tilespmem:s21+$0x7F30]  }
0x78: {  	v56 =	vld [tilespmem:s21+$0x240]  }
0x79: {  	v51 =	vld [tilespmem:s21+$0x7F40]  }
0x7a: {  	v58 =	vld [tilespmem:s21+$0x250]  }
0x7b: {  	[tilespmem:$0x1FD00] =	vst v61;
	v61 =	vld [tilespmem:s21+$0x8060]  }
0x7c: {  	v59 =	vld [tilespmem:s21+$0x270]  }
0x7d: {  	v53 =	vld [tilespmem:s21+$0x7F50]  }
0x7e: {  	v60 =	vld [tilespmem:s21+$0x260]  }
0x7f: {  	s23 =	sor.u32 $0x1, s20;
	v57 =	vld [tilespmem:s21+$0x7F60]  }
0x80: {  	s22 =	smul.u32 $0x3E8, s23;
	[tilespmem:$0x1FD10] =	vst v61;
	v61 =	vld [tilespmem:s21+$0x370]  }
0x81: {  	[tilespmem:$0x1FB30] =	vst v59;
	v59 =	vld [tilespmem:s21+$0x7F70]  }
0x82: {  	v1 =	vadd.f32 v1, v4;
	v4 =	vld [tilespmem:s22+$0xC0]  }
0x83: {  	v8 =	vadd.f32 v5, v8;
	v5 =	vadd.f32 v7, v10;
	v10 =	vld [tilespmem:s22+$0x7DD0]  }
0x84: {  	v7 =	vadd.f32 v9, v12;
	v12 =	vld [tilespmem:s22+$0xE0]  }
0x85: {  	[tilespmem:$0x1FD20] =	vst v61;
	v61 =	vld [tilespmem:s21+$0x8070]  }
0x86: {  	v9 =	vadd.f32 v11, v14;
	v14 =	vld [tilespmem:s22+$0x7DE0]  }
0x87: {  	v11 =	vadd.f32 v13, v16;
	v16 =	vld [tilespmem:s22+$0xF0]  }
0x88: {  	v13 =	vadd.f32 v15, v18;
	v18 =	vld [tilespmem:s22+$0x7DF0]  }
0x89: {  	v15 =	vadd.f32 v17, v20;
	v20 =	vld [tilespmem:s22+$0x100]  }
0x8a: {  	v17 =	vadd.f32 v19, v22;
	[tilespmem:$0x1FD30] =	vst v61;
	v61 =	vld [tilespmem:s21+$0x380]  }
0x8b: {  	v19 =	vadd.f32 v21, v24;
	v21 =	vadd.f32 v23, v54;
	v54 =	vld [tilespmem:s22+$0x7E00]  }
0x8c: {  	v22 =	vadd.f32 v25, v55;
	v55 =	vld [tilespmem:s22+$0x110]  }
0x8d: {  	v23 =	vadd.f32 v26, v62;
	v62 =	vld [tilespmem:s22+$0x7E10]  }
0x8e: {  	v24 =	vadd.f32 v27, v63;
	v63 =	vld [tilespmem:s22+$0x120]  }
0x8f: {  	[tilespmem:$0x1FD40] =	vst v61;
	v61 =	vld [tilespmem:s21+$0x8080]  }
0x90: {  	v25 =	vadd.f32 v28, v42;
	v42 =	vld [tilespmem:s22+$0x7E20]  }
0x91: {  	v26 =	vadd.f32 v29, v39;
	v39 =	vld [tilespmem:s22+$0x130]  }
0x92: {  	v27 =	vadd.f32 v30, v32;
	v30 =	vld [tilespmem:s22+$0x7E30]  }
0x93: {  	v33 =	vadd.f32 v31, v33;
	v31 =	vld [tilespmem:s22+$0x140]  }
0x94: {  	v0 =	vadd.f32 v0, v3;
	[tilespmem:$0x1FD50] =	vst v61;
	v61 =	vld [tilespmem:s21+$0x390]  }
0x95: {  	v48 =	vadd.f32 v48, v50;
	v50 =	vadd.f32 v49, v52;
	v3 =	vld [tilespmem:s22+$0x180]  }
0x96: {  	v52 =	vadd.f32 v51, v56;
	v56 =	vadd.f32 v53, v58;
	v58 =	vld [tilespmem:$0x1FB30]  }
0x97: {  	[tilespmem:s21+$0x80] =	vst v0;
	v0 =	vadd.f32 v2, v6;
	v6 =	vld [tilespmem:s22+$0x7DB0]  }
0x98: {  	[tilespmem:s21+$0xB0] =	vst v8;
	v8 =	vld [tilespmem:s22+$0xD0]  }
0x99: {  	[tilespmem:$0x1FD60] =	vst v61;
	v61 =	vld [tilespmem:s21+$0x8090]  }
0x9a: {  	[tilespmem:s21+$0x150] =	vst v22;
	v22 =	vld [tilespmem:s22+$0x7E40]  }
0x9b: {  	[tilespmem:s21+$0x130] =	vst v19;
	v19 =	vld [tilespmem:s22+$0x150]  }
0x9c: {  	[tilespmem:s21+$0xF0] =	vst v11;
	v11 =	vld [tilespmem:s22+$0x160]  }
0x9d: {  	v2 =	vld [tilespmem:s22+$0x7E60]  }
0x9e: {  	[tilespmem:$0x1FD70] =	vst v61;
	v61 =	vld [tilespmem:s21+$0x3A0]  }
0x9f: {  	[tilespmem:s21+$0x90] =	vst v1;
	v1 =	vld [tilespmem:s22+$0x7E70]  }
0xa0: {  	[tilespmem:s21+$0xC0] =	vst v5;
	v5 =	vld [tilespmem:s22+$0x190]  }
0xa1: {  	[tilespmem:s21+$0xD0] =	vst v7;
	v7 =	vld [tilespmem:s22+$0x1A0]  }
0xa2: {  	[tilespmem:s21+$0xE0] =	vst v9;
	v9 =	vld [tilespmem:s22+$0x1B0]  }
0xa3: {  	[tilespmem:$0x1FD80] =	vst v61;
	v61 =	vld [tilespmem:s21+$0x80A0]  }
0xa4: {  	[tilespmem:s21+$0x100] =	vst v13;
	v13 =	vld [tilespmem:s22+$0x1C0]  }
0xa5: {  	[tilespmem:s21+$0x110] =	vst v15;
	v15 =	vld [tilespmem:s22+$0x1D0]  }
0xa6: {  	[tilespmem:s21+$0xA0] =	vst v0;
	v0 =	vld [tilespmem:s22+$0x170]  }
0xa7: {  	[tilespmem:$0x1FFA0] =	vst v10;
	v10 =	vld [tilespmem:s22+$0x7E50]  }
0xa8: {  	[tilespmem:$0x1FD90] =	vst v61;
	v61 =	vld [tilespmem:s21+$0x3B0]  }
0xa9: {  	[tilespmem:$0x1FF70] =	vst v4;
	v4 =	vld [tilespmem:s22+$0x7E80]  }
0xaa: {  	[tilespmem:$0x1FFD0] =	vst v16;
	v16 =	vld [tilespmem:$0x1FB40]  }
0xab: {  	[tilespmem:$0x1FFB0] =	vst v12;
	v12 =	vld [tilespmem:s22+$0x7EB0]  }
0xac: {  	[tilespmem:$0x1FFC0] =	vst v14;
	v14 =	vld [tilespmem:s22+$0x7EC0]  }
0xad: {  	[tilespmem:$0x1FDA0] =	vst v61;
	v61 =	vld [tilespmem:s21+$0x80B0]  }
0xae: {  	v62 =	vadd.f32 v62, v55;
	v55 =	vld [tilespmem:s22+$0x2E0]  }
0xaf: {  	v63 =	vadd.f32 v42, v63;
	v42 =	vld [tilespmem:s22+$0x7FE0]  }
0xb0: {  	v39 =	vadd.f32 v30, v39;
	v30 =	vld [tilespmem:s22+$0x2F0]  }
0xb1: {  	[tilespmem:s21+$0x120] =	vst v17;
	v17 =	vld [tilespmem:$0x1FB50]  }
0xb2: {  	[tilespmem:$0x1FDB0] =	vst v61;
	v61 =	vld [tilespmem:s21+$0x3C0]  }
0xb3: {  	[tilespmem:$0x1FF60] =	vst v6;
	v6 =	vld [tilespmem:s22+$0x7DC0]  }
0xb4: {  	[tilespmem:$0x1FF90] =	vst v8;
	v8 =	vld [tilespmem:s22+$0x7EA0]  }
0xb5: {  	v0 =	vadd.f32 v1, v0;
	v1 =	vld [tilespmem:s22+$0x310]  }
0xb6: {  	v10 =	vadd.f32 v10, v19;
	v19 =	vld [tilespmem:s22+$0x300]  }
0xb7: {  	[tilespmem:$0x1FDC0] =	vst v61;
	v61 =	vld [tilespmem:s21+$0x80C0]  }
0xb8: {  	v12 =	vadd.f32 v12, v9;
	v9 =	vld [tilespmem:s22+$0x8040]  }
0xb9: {  	v14 =	vadd.f32 v14, v13;
	v13 =	vld [tilespmem:s22+$0x360]  }
0xba: {  	v55 =	vadd.f32 v42, v55;
	v42 =	vld [tilespmem:s22+$0x420]  }
0xbb: {  	[tilespmem:$0x1FFF0] =	vst v20;
	v20 =	vld [tilespmem:$0x1FB60]  }
0xbc: {  	[tilespmem:$0x1FDD0] =	vst v61;
	v61 =	vld [tilespmem:s21+$0x3D0]  }
0xbd: {  	[tilespmem:$0x1FFE0] =	vst v18;
	v18 =	vadd.f32 v17, v16;
	v16 =	vld [tilespmem:s22+$0x7ED0]  }
0xbe: {  	v17 =	vld [tilespmem:s22+$0x1E0]  }
0xbf: {  	[tilespmem:$0x1FF80] =	vst v6;
	v6 =	vld [tilespmem:s22+$0x7E90]  }
0xc0: {  	[tilespmem:s21+$0x140] =	vst v21;
	v21 =	vld [tilespmem:$0x1FB70]  }
0xc1: {  	[tilespmem:$0x1FDE0] =	vst v61;
	v61 =	vld [tilespmem:s21+$0x80D0]  }
0xc2: {  	[tilespmem:s21+$0x170] =	vst v24;
	v24 =	vld [tilespmem:$0x1FB80]  }
0xc3: {  	[tilespmem:s21+$0x180] =	vst v25;
	v25 =	vld [tilespmem:$0x1FB90]  }
0xc4: {  	[tilespmem:s21+$0x280] =	vst v18;
	v18 =	vld [tilespmem:s22+$0x7EE0]  }
0xc5: {  	[tilespmem:s21+$0x160] =	vst v23;
	v23 =	vadd.f32 v21, v20;
	v20 =	vld [tilespmem:s22+$0x1F0]  }
0xc6: {  	[tilespmem:$0x1FDF0] =	vst v61;
	v61 =	vld [tilespmem:s21+$0x3E0]  }
0xc7: {  	[tilespmem:s21+$0x1A0] =	vst v27;
	v27 =	vld [tilespmem:$0x1FBA0]  }
0xc8: {  	[tilespmem:s21+$0x190] =	vst v26;
	v26 =	vadd.f32 v25, v24;
	v24 =	vld [tilespmem:s22+$0x7EF0]  }
0xc9: {  	v28 =	vld [tilespmem:$0x1FBB0]  }
0xca: {  	v25 =	vld [tilespmem:s22+$0x200]  }
0xcb: {  	[tilespmem:$0x1FE00] =	vst v61;
	v61 =	vld [tilespmem:s21+$0x80E0]  }
0xcc: {  	[tilespmem:s21+$0x2A0] =	vst v26;
	v26 =	vld [tilespmem:s22+$0x7F00]  }
0xcd: {  	v32 =	vld [tilespmem:$0x1FBC0]  }
0xce: {  	v29 =	vadd.f32 v28, v27;
	v27 =	vld [tilespmem:s22+$0x210]  }
0xcf: {  	v28 =	vld [tilespmem:s22+$0x7F10]  }
0xd0: {  	[tilespmem:$0x1FE10] =	vst v61;
	v61 =	vld [tilespmem:s21+$0x3F0]  }
0xd1: {  	[tilespmem:s21+$0x2B0] =	vst v29;
	v29 =	vld [tilespmem:s22+$0x220]  }
0xd2: {  	v36 =	vadd.f32 v34, v36;
	[tilespmem:s21+$0x1B0] =	vst v33;
	v33 =	vld [tilespmem:$0x1FBD0]  }
0xd3: {  	v38 =	vadd.f32 v35, v38;
	v35 =	vld [tilespmem:$0x1FBE0]  }
0xd4: {  	[tilespmem:s21+$0x1C0] =	vst v36;
	v36 =	vld [tilespmem:$0x1FBF0]  }
0xd5: {  	[tilespmem:$0x1FE20] =	vst v61;
	v61 =	vld [tilespmem:s21+$0x80F0]  }
0xd6: {  	v43 =	vadd.f32 v40, v43;
	[tilespmem:s21+$0x1D0] =	vst v38;
	v38 =	vld [tilespmem:$0x1FC00]  }
0xd7: {  	v40 =	vld [tilespmem:$0x1FC10]  }
0xd8: {  	[tilespmem:s21+$0x1F0] =	vst v43;
	v43 =	vld [tilespmem:$0x1FC20]  }
0xd9: {  	v46 =	vadd.f32 v44, v46;
	v44 =	vld [tilespmem:$0x1FC30]  }
0xda: {  	v47 =	vadd.f32 v45, v47;
	[tilespmem:$0x1FE30] =	vst v61;
	v61 =	vld [tilespmem:s21+$0x400]  }
0xdb: {  	[tilespmem:s21+$0x200] =	vst v46;
	v46 =	vld [tilespmem:$0x1FC40]  }
0xdc: {  	[tilespmem:s21+$0x210] =	vst v47;
	v47 =	vld [tilespmem:$0x1FC50]  }
0xdd: {  	v49 =	vld [tilespmem:$0x1FC60]  }
0xde: {  	[tilespmem:s21+$0x230] =	vst v50;
	v50 =	vld [tilespmem:$0x1FC70]  }
0xdf: {  	[tilespmem:$0x1FE40] =	vst v61;
	v61 =	vld [tilespmem:s21+$0x8100]  }
0xe0: {  	v51 =	vld [tilespmem:$0x1FC80]  }
0xe1: {  	[tilespmem:s21+$0x240] =	vst v52;
	v52 =	vld [tilespmem:$0x1FC90]  }
0xe2: {  	v53 =	vld [tilespmem:$0x1FCA0]  }
0xe3: {  	v57 =	vadd.f32 v57, v60;
	[tilespmem:s21+$0x250] =	vst v56;
	v56 =	vld [tilespmem:$0x1FCB0]  }
0xe4: {  	[tilespmem:$0x1FE50] =	vst v61;
	v61 =	vld [tilespmem:s21+$0x410]  }
0xe5: {  	[tilespmem:s21+$0x260] =	vst v57;
	v57 =	vld [tilespmem:$0x1FCC0]  }
0xe6: {  	v60 =	vadd.f32 v59, v58;
	v58 =	vld [tilespmem:$0x1FCD0]  }
0xe7: {  	v59 =	vld [tilespmem:$0x1FCE0]  }
0xe8: {  	[tilespmem:s21+$0x270] =	vst v60;
	v34 =	vadd.f32 v33, v32;
	v32 =	vld [tilespmem:$0x1FD00]  }
0xe9: {  	[tilespmem:$0x1FE60] =	vst v61;
	v61 =	vld [tilespmem:s21+$0x8110]  }
0xea: {  	[tilespmem:s21+$0x290] =	vst v23;
	v21 =	vadd.f32 v50, v49;
	v33 =	vld [tilespmem:$0x1FD10]  }
0xeb: {  	[tilespmem:s21+$0x2C0] =	vst v34;
	v23 =	vadd.f32 v52, v51;
	v60 =	vld [tilespmem:$0x1FCF0]  }
0xec: {  	v41 =	vadd.f32 v37, v41;
	[tilespmem:s21+$0x310] =	vst v21;
	v34 =	vld [tilespmem:$0x1FD20]  }
0xed: {  	v37 =	vadd.f32 v36, v35;
	[tilespmem:s21+$0x320] =	vst v23;
	v23 =	vadd.f32 v58, v57;
	v35 =	vld [tilespmem:$0x1FD30]  }
0xee: {  	v21 =	vadd.f32 v56, v53;
	[tilespmem:$0x1FE70] =	vst v61;
	v61 =	vld [tilespmem:s21+$0x420]  }
0xef: {  	[tilespmem:s21+$0x340] =	vst v23;
	v23 =	vadd.f32 v33, v32;
	v32 =	vld [tilespmem:s22+$0x7F20]  }
0xf0: {  	[tilespmem:s21+$0x330] =	vst v21;
	v21 =	vadd.f32 v60, v59;
	v33 =	vld [tilespmem:s22+$0x230]  }
0xf1: {  	v36 =	vld [tilespmem:$0x1FD40]  }
0xf2: {  	[tilespmem:s21+$0x350] =	vst v21;
	v21 =	vadd.f32 v35, v34;
	v34 =	vld [tilespmem:s22+$0x7F30]  }
0xf3: {  	[tilespmem:$0x1FE80] =	vst v61;
	v61 =	vld [tilespmem:s21+$0x8120]  }
0xf4: {  	[tilespmem:s21+$0x2D0] =	vst v37;
	v37 =	vld [tilespmem:$0x1FD50]  }
0xf5: {  	v35 =	vld [tilespmem:s22+$0x240]  }
0xf6: {  	[tilespmem:s21+$0x1E0] =	vst v41;
	v41 =	vadd.f32 v40, v38;
	v38 =	vld [tilespmem:$0x1FD60]  }
0xf7: {  	v40 =	vld [tilespmem:$0x1FD70]  }
0xf8: {  	[tilespmem:$0x1FE90] =	vst v61;
	v61 =	vld [tilespmem:s21+$0x430]  }
0xf9: {  	[tilespmem:s21+$0x360] =	vst v23;
	v23 =	vadd.f32 v37, v36;
	v37 =	vld [tilespmem:s22+$0x250]  }
0xfa: {  	[tilespmem:s21+$0x2E0] =	vst v41;
	v41 =	vld [tilespmem:$0x1FD80]  }
0xfb: {  	v45 =	vadd.f32 v44, v43;
	v43 =	vld [tilespmem:$0x1FD90]  }
0xfc: {  	[tilespmem:s21+$0x370] =	vst v21;
	v21 =	vadd.f32 v40, v38;
	v38 =	vld [tilespmem:s22+$0x7F50]  }
0xfd: {  	[tilespmem:$0x1FEA0] =	vst v61;
	v61 =	vld [tilespmem:s21+$0x8130]  }
0xfe: {  	v40 =	vld [tilespmem:s22+$0x260]  }
0xff: {  	v44 =	vld [tilespmem:$0x1FDA0]  }
0x100: {  	[tilespmem:s21+$0x380] =	vst v23;
	v23 =	vadd.f32 v43, v41;
	v41 =	vld [tilespmem:s22+$0x7F60]  }
0x101: {  	[tilespmem:s21+$0x2F0] =	vst v45;
	v45 =	vld [tilespmem:$0x1FDB0]  }
0x102: {  	[tilespmem:$0x1FEB0] =	vst v61;
	v61 =	vld [tilespmem:s21+$0x440]  }
0x103: {  	v36 =	vld [tilespmem:s22+$0x7F40]  }
0x104: {  	v43 =	vld [tilespmem:s22+$0x270]  }
0x105: {  	v37 =	vadd.f32 v38, v37;
	v38 =	vadd.f32 v41, v40;
	v41 =	vld [tilespmem:s22+$0x390]  }
0x106: {  	[tilespmem:s21+$0x390] =	vst v21;
	v21 =	vadd.f32 v45, v44;
	v44 =	vld [tilespmem:s22+$0x7F70]  }
0x107: {  	[tilespmem:$0x1FEC0] =	vst v61;
	v61 =	vld [tilespmem:s21+$0x8140]  }
0x108: {  	[tilespmem:s21+$0x220] =	vst v48;
	v48 =	vadd.f32 v47, v46;
	v46 =	vld [tilespmem:$0x1FDC0]  }
0x109: {  	v47 =	vld [tilespmem:$0x1FDD0]  }
0x10a: {  	v45 =	vld [tilespmem:s22+$0x280]  }
0x10b: {  	v40 =	vadd.f32 v44, v43;
	v44 =	vld [tilespmem:s22+$0x8090]  }
0x10c: {  	[tilespmem:$0x1FED0] =	vst v61;
	v61 =	vld [tilespmem:s21+$0x450]  }
0x10d: {  	[tilespmem:s21+$0x300] =	vst v48;
	v48 =	vld [tilespmem:$0x1FDE0]  }
0x10e: {  	[tilespmem:s21+$0x3A0] =	vst v23;
	v23 =	vadd.f32 v47, v46;
	v46 =	vld [tilespmem:s22+$0x7F80]  }
0x10f: {  	v49 =	vld [tilespmem:$0x1FDF0]  }
0x110: {  	v50 =	vld [tilespmem:$0x1FE00]  }
0x111: {  	[tilespmem:$0x1FEE0] =	vst v61;
	v61 =	vld [tilespmem:s21+$0x8150]  }
0x112: {  	v51 =	vld [tilespmem:$0x1FE10]  }
0x113: {  	v52 =	vld [tilespmem:$0x1FE20]  }
0x114: {  	v53 =	vld [tilespmem:$0x1FE30]  }
0x115: {  	v56 =	vld [tilespmem:$0x1FE40]  }
0x116: {  	[tilespmem:$0x1FEF0] =	vst v61;
	v61 =	vld [tilespmem:s22+$0x80]  }
0x117: {  	v57 =	vld [tilespmem:$0x1FE50]  }
0x118: {  	v58 =	vld [tilespmem:$0x1FE60]  }
0x119: {  	v59 =	vld [tilespmem:$0x1FE70]  }
0x11a: {  	[tilespmem:s21+$0x3B0] =	vst v21;
	v60 =	vld [tilespmem:$0x1FE80]  }
0x11b: {  	v21 =	vadd.f32 v49, v48;
	[tilespmem:$0x1FF00] =	vst v61;
	v61 =	vld [tilespmem:s22+$0x7D80]  }
0x11c: {  	[tilespmem:s21+$0x3C0] =	vst v23;
	v23 =	vadd.f32 v51, v50;
	v48 =	vld [tilespmem:$0x1FE90]  }
0x11d: {  	[tilespmem:s21+$0x3D0] =	vst v21;
	v21 =	vadd.f32 v53, v52;
	v49 =	vld [tilespmem:$0x1FEA0]  }
0x11e: {  	[tilespmem:s21+$0x3E0] =	vst v23;
	v50 =	vld [tilespmem:$0x1FEB0]  }
0x11f: {  	v47 =	vld [tilespmem:s22+$0x290];
	v23 =	vadd.f32 v57, v56;
	[tilespmem:s21+$0x3F0] =	vst v21  }
0x120: {  	[tilespmem:$0x1FF10] =	vst v61;
	v61 =	vld [tilespmem:s22+$0x90]  }
0x121: {  	v21 =	vadd.f32 v59, v58;
	[tilespmem:s21+$0x400] =	vst v23;
	v23 =	vadd.f32 v48, v60;
	v48 =	vld [tilespmem:s22+$0x7F90]  }
0x122: {  	v51 =	vld [tilespmem:$0x1FEC0]  }
0x123: {  	[tilespmem:s21+$0x410] =	vst v21;
	v21 =	vadd.f32 v50, v49;
	v49 =	vld [tilespmem:s22+$0x2A0]  }
0x124: {  	v52 =	vld [tilespmem:$0x1FED0]  }
0x125: {  	[tilespmem:$0x1FF20] =	vst v61;
	v61 =	vld [tilespmem:s22+$0x7D90]  }
0x126: {  	v53 =	vld [tilespmem:$0x1FEE0]  }
0x127: {  	v56 =	vld [tilespmem:$0x1FEF0]  }
0x128: {  	v50 =	vld [tilespmem:s22+$0x7FA0]  }
0x129: {  	v41 =	vadd.f32 v44, v41;
	v44 =	vld [tilespmem:s22+$0x8120]  }
0x12a: {  	[tilespmem:$0x1FF30] =	vst v61;
	v61 =	vld [tilespmem:s22+$0xA0]  }
0x12b: {  	v43 =	vadd.f32 v46, v45;
	v46 =	vld [tilespmem:s22+$0x3A0];
	[tilespmem:s21+$0x420] =	vst v23;
	v23 =	vadd.f32 v52, v51  }
0x12c: {  	v45 =	vadd.f32 v48, v47;
	v48 =	vld [tilespmem:s22+$0x80A0];
	[tilespmem:s21+$0x430] =	vst v21;
	v21 =	vadd.f32 v56, v53  }
0x12d: {  	v47 =	vadd.f32 v50, v49;
	v50 =	vld [tilespmem:s22+$0x3B0];
	[tilespmem:s21+$0x440] =	vst v23  }
0x12e: {  	v57 =	vld [tilespmem:$0x1FF00];
	[tilespmem:s21+$0x450] =	vst v21  }
0x12f: {  	v58 =	vld [tilespmem:$0x1FF10];
	[tilespmem:$0x1FF40] =	vst v61  }
0x130: {  	v61 =	vld [tilespmem:s22+$0x7DA0];
	[tilespmem:s22+$0x110] =	vst v62  }
0x131: {  	v22 =	vadd.f32 v22, v31;
	v51 =	vld [tilespmem:s22+$0x2B0];
	[tilespmem:s22+$0x120] =	vst v63  }
0x132: {  	v56 =	vld [tilespmem:$0x1FF60];
	[tilespmem:s22+$0x130] =	vst v39  }
0x133: {  	v2 =	vadd.f32 v2, v11;
	v59 =	vld [tilespmem:$0x1FF20];
	[tilespmem:s22+$0x140] =	vst v22  }
0x134: {  	v23 =	vadd.f32 v58, v57;
	v57 =	vld [tilespmem:$0x1FF70];
	[tilespmem:s22+$0x150] =	vst v10  }
0x135: {  	v58 =	vld [tilespmem:$0x1FF80];
	[tilespmem:s22+$0x160] =	vst v2  }
0x136: {  	v60 =	vld [tilespmem:$0x1FF30];
	[tilespmem:s22+$0x170] =	vst v0  }
0x137: {  	v24 =	vadd.f32 v24, v20;
	v63 =	vld [tilespmem:s22+$0x8020];
	[tilespmem:s22+$0x1B0] =	vst v12  }
0x138: {  	v26 =	vadd.f32 v26, v25;
	v62 =	vadd.f32 v8, v7;
	v7 =	vld [tilespmem:s22+$0x8030];
	[tilespmem:s22+$0x1C0] =	vst v14  }
0x139: {  	v31 =	vadd.f32 v28, v27;
	v8 =	vld [tilespmem:s22+$0x340];
	[tilespmem:s22+$0x1F0] =	vst v24  }
0x13a: {  	v32 =	vadd.f32 v32, v29;
	v10 =	vld [tilespmem:s22+$0x350];
	[tilespmem:s22+$0x200] =	vst v26  }
0x13b: {  	v34 =	vadd.f32 v34, v33;
	v12 =	vld [tilespmem:s22+$0x8050];
	[tilespmem:s22+$0x210] =	vst v31  }
0x13c: {  	v36 =	vadd.f32 v36, v35;
	v14 =	vld [tilespmem:s22+$0x8060];
	[tilespmem:s22+$0x220] =	vst v32  }
0x13d: {  	v22 =	vadd.f32 v18, v17;
	[tilespmem:s22+$0x230] =	vst v34;
	v17 =	vld [tilespmem:s22+$0x380]  }
0x13e: {  	[tilespmem:s22+$0x240] =	vst v36;
	v39 =	vld [tilespmem:s22+$0x8080]  }
0x13f: {  	[tilespmem:s22+$0x250] =	vst v37;
	v32 =	vld [tilespmem:s22+$0x80F0]  }
0x140: {  	[tilespmem:s22+$0x260] =	vst v38;
	v34 =	vld [tilespmem:s22+$0x400]  }
0x141: {  	[tilespmem:s22+$0x270] =	vst v40;
	v36 =	vld [tilespmem:s22+$0x8100]  }
0x142: {  	[tilespmem:s22+$0x280] =	vst v43;
	v38 =	vld [tilespmem:s22+$0x410]  }
0x143: {  	[tilespmem:s22+$0x290] =	vst v45;
	v52 =	vld [tilespmem:$0x1FF40]  }
0x144: {  	[tilespmem:s22+$0x2A0] =	vst v47;
	v21 =	vadd.f32 v60, v59;
	v59 =	vld [tilespmem:$0x1FF90]  }
0x145: {  	[tilespmem:$0x1FF50] =	vst v61;
	v61 =	vld [tilespmem:s22+$0xB0]  }
0x146: {  	[tilespmem:s22+$0x2E0] =	vst v55;
	v53 =	vld [tilespmem:$0x1FF50]  }
0x147: {  	[tilespmem:s22+$0x390] =	vst v41;
	v60 =	vld [tilespmem:$0x1FFA0]  }
0x148: {  	v40 =	vld [tilespmem:s22+$0x8110];
	[tilespmem:s22+$0x1A0] =	vst v62  }
0x149: {  	[tilespmem:s22+$0x1E0] =	vst v22;
	v62 =	vld [tilespmem:s22+$0x3E0]  }
0x14a: {  	[tilespmem:s22+$0x90] =	vst v21;
	v21 =	vadd.f32 v56, v61;
	v61 =	vld [tilespmem:$0x1FFB0]  }
0x14b: {  	v43 =	vadd.f32 v48, v46;
	[tilespmem:s22+$0x80] =	vst v23;
	v23 =	vadd.f32 v53, v52;
	v52 =	vld [tilespmem:s22+$0x7FB0]  }
0x14c: {  	v31 =	vadd.f32 v9, v8;
	[tilespmem:s22+$0xB0] =	vst v21;
	v21 =	vadd.f32 v60, v59;
	v60 =	vld [tilespmem:$0x1FFC0]  }
0x14d: {  	[tilespmem:s22+$0x3A0] =	vst v43;
	v56 =	vld [tilespmem:s22+$0x7FC0]  }
0x14e: {  	v33 =	vadd.f32 v12, v10;
	[tilespmem:s22+$0x340] =	vst v31;
	v53 =	vld [tilespmem:s22+$0x2C0]  }
0x14f: {  	v59 =	vld [tilespmem:s22+$0x8000];
	[tilespmem:s22+$0xA0] =	vst v23;
	v23 =	vadd.f32 v58, v57  }
0x150: {  	v35 =	vadd.f32 v14, v13;
	[tilespmem:s22+$0x350] =	vst v33;
	v49 =	vadd.f32 v52, v51;
	v52 =	vld [tilespmem:s22+$0x80B0]  }
0x151: {  	v39 =	vadd.f32 v39, v17;
	[tilespmem:s22+$0xC0] =	vst v23;
	v23 =	vadd.f32 v60, v61;
	v61 =	vld [tilespmem:$0x1FFD0]  }
0x152: {  	[tilespmem:s22+$0x360] =	vst v35;
	v60 =	vld [tilespmem:$0x1FFE0]  }
0x153: {  	[tilespmem:s22+$0x380] =	vst v39;
	v57 =	vld [tilespmem:s22+$0x2D0];
	v51 =	vadd.f32 v56, v53  }
0x154: {  	[tilespmem:s22+$0xD0] =	vst v21;
	v59 =	vadd.f32 v59, v19;
	v19 =	vld [tilespmem:s22+$0x80E0]  }
0x155: {  	[tilespmem:s22+$0x2C0] =	vst v51;
	v51 =	vld [tilespmem:s22+$0x8140]  }
0x156: {  	[tilespmem:s22+$0x2B0] =	vst v49;
	v45 =	vadd.f32 v52, v50;
	v50 =	vld [tilespmem:s22+$0x440]  }
0x157: {  	[tilespmem:s22+$0xE0] =	vst v23;
	v21 =	vadd.f32 v60, v61;
	v61 =	vld [tilespmem:$0x1FFF0]  }
0x158: {  	[tilespmem:s22+$0x300] =	vst v59;
	v60 =	vadd.f32 v4, v3;
	v3 =	vld [tilespmem:s22+$0x8010]  }
0x159: {  	v4 =	vld [tilespmem:s22+$0x320];
	[tilespmem:s22+$0x3B0] =	vst v45  }
0x15a: {  	[tilespmem:s22+$0xF0] =	vst v21;
	v21 =	vadd.f32 v16, v15;
	v15 =	vld [tilespmem:s22+$0x370]  }
0x15b: {  	[tilespmem:s22+$0x180] =	vst v60;
	v16 =	vld [tilespmem:s22+$0x8070];
	v59 =	vadd.f32 v51, v50  }
0x15c: {  	[tilespmem:s22+$0x1D0] =	vst v21;
	v23 =	vadd.f32 v54, v61;
	v54 =	vld [tilespmem:s22+$0x7FD0]  }
0x15d: {  	v58 =	vld [tilespmem:s22+$0x7FF0];
	v61 =	vadd.f32 v6, v5;
	[tilespmem:s22+$0x440] =	vst v59  }
0x15e: {  	v56 =	vld [tilespmem:s22+$0x80C0];
	v63 =	vadd.f32 v63, v4;
	[tilespmem:s22+$0x100] =	vst v23  }
0x15f: {  	v6 =	vld [tilespmem:s22+$0x330];
	[tilespmem:s22+$0x190] =	vst v61;
	v61 =	vadd.f32 v3, v1  }
0x160: {  	v60 =	vld [tilespmem:s22+$0x80D0];
	[tilespmem:s22+$0x320] =	vst v63;
	v37 =	vadd.f32 v16, v15  }
0x161: {  	v1 =	vadd.f32 v19, v62;
	[tilespmem:s22+$0x310] =	vst v61;
	v53 =	vadd.f32 v54, v57;
	v54 =	vld [tilespmem:s22+$0x3C0]  }
0x162: {  	[tilespmem:s22+$0x370] =	vst v37;
	v57 =	vadd.f32 v58, v30;
	v58 =	vld [tilespmem:s22+$0x3D0]  }
0x163: {  	[tilespmem:s22+$0x3E0] =	vst v1;
	v30 =	vld [tilespmem:s22+$0x3F0]  }
0x164: {  	v46 =	vld [tilespmem:s22+$0x430];
	v29 =	vadd.f32 v7, v6;
	[tilespmem:s22+$0x2D0] =	vst v53  }
0x165: {  	v48 =	vld [tilespmem:s22+$0x8130];
	[tilespmem:s22+$0x2F0] =	vst v57;
	v57 =	vadd.f32 v44, v42  }
0x166: {  	v55 =	vld [tilespmem:s22+$0x8150];
	[tilespmem:s22+$0x330] =	vst v29;
	v47 =	vadd.f32 v56, v54  }
0x167: {  	v53 =	vld [tilespmem:s22+$0x450];
	[tilespmem:s22+$0x420] =	vst v57;
	v49 =	vadd.f32 v60, v58  }
0x168: {  	v52 =	vadd.f32 v32, v30;
	[tilespmem:s22+$0x3C0] =	vst v47  }
0x169: {  	v54 =	vadd.f32 v36, v34;
	[tilespmem:s22+$0x3D0] =	vst v49  }
0x16a: {  	v56 =	vadd.f32 v40, v38;
	[tilespmem:s22+$0x3F0] =	vst v52  }
0x16b: {  	v58 =	vadd.f32 v48, v46;
	[tilespmem:s22+$0x400] =	vst v54  }
0x16c: {  	s24 =	sshll.u32 s20, $0x4;
	[tilespmem:s22+$0x410] =	vst v56;
	v60 =	vadd.f32 v55, v53  }
0x16d: {  	s24 =	sand.u32 $0x3FFFFFF0, s24;
	s23 =	sshll.u32 s23, $0x4;
	v62 =	vld [tilespmem:s21+$0x458];
	[tilespmem:s22+$0x430] =	vst v58  }
0x16e: {  	s23 =	sand.u32 $0x3FFFFFF0, s23;
	v61 =	vld [tilespmem:s24+$0xDF28];
	[tilespmem:s22+$0x450] =	vst v60  }
0x16f: {  	v0 =	vld [tilespmem:s23+$0xDF28]  }
0x170: {  	v63 =	vld [tilespmem:s22+$0x458];
	_ =	sdelay $0x1  }
0x171: {  	p0 =	slt.u32 s20, $0x16  }
.Ltmp0:
0x172: {  	_ = 	snop;
	(pc) =	sbr.rel @p0 .LBB2_3-.Ltmp0, $4  }
0x173: {  	v1 =	vadd.f32 v61, v62  }
0x174: {  	v0 =	vadd.f32 v0, v63  }
0x175: {  	s31 =	sadd.s32 $0x2, s20;
	[tilespmem:s21+$0x458] =	vst v1  }
0x176: {  	s20 =	smov.u32 s31;
	[tilespmem:s22+$0x458] =	vst v0  }
0x177: {  	v0 =	vld [tilespmem:$0x5E40]  }
0x178: {  	v1 =	vld [tilespmem:$0xDB40]  }
0x179: {  	v2 =	vld [tilespmem:$0x5E50]  }
0x17a: {  	v3 =	vld [tilespmem:$0xDB50]  }
0x17b: {  	v4 =	vld [tilespmem:$0x5E60]  }
0x17c: {  	v5 =	vld [tilespmem:$0xDB60]  }
0x17d: {  	v6 =	vld [tilespmem:$0x5E70]  }
0x17e: {  	v7 =	vld [tilespmem:$0xDB70]  }
0x17f: {  	v8 =	vld [tilespmem:$0x5E80]  }
0x180: {  	v9 =	vld [tilespmem:$0xDB80]  }
0x181: {  	v10 =	vld [tilespmem:$0x5E90]  }
0x182: {  	v11 =	vld [tilespmem:$0xDB90]  }
0x183: {  	v12 =	vld [tilespmem:$0x5EA0]  }
0x184: {  	v13 =	vld [tilespmem:$0xDBA0]  }
0x185: {  	v14 =	vld [tilespmem:$0x5EB0]  }
0x186: {  	v15 =	vld [tilespmem:$0xDBB0]  }
0x187: {  	v16 =	vld [tilespmem:$0x5EC0]  }
0x188: {  	v17 =	vld [tilespmem:$0xDBC0]  }
0x189: {  	v18 =	vld [tilespmem:$0x5ED0]  }
0x18a: {  	v19 =	vld [tilespmem:$0xDBD0]  }
0x18b: {  	v20 =	vld [tilespmem:$0x5EE0]  }
0x18c: {  	v21 =	vld [tilespmem:$0xDBE0]  }
0x18d: {  	v22 =	vld [tilespmem:$0x5EF0]  }
0x18e: {  	v23 =	vld [tilespmem:$0xDBF0]  }
0x18f: {  	v24 =	vld [tilespmem:$0x5F00]  }
0x190: {  	v25 =	vld [tilespmem:$0xDC00]  }
0x191: {  	v26 =	vld [tilespmem:$0x5F10]  }
0x192: {  	v27 =	vld [tilespmem:$0xDC10]  }
0x193: {  	v28 =	vld [tilespmem:$0x5F20]  }
0x194: {  	v29 =	vld [tilespmem:$0xDC20]  }
0x195: {  	v30 =	vld [tilespmem:$0x5F30]  }
0x196: {  	v31 =	vld [tilespmem:$0xDC30]  }
0x197: {  	v32 =	vld [tilespmem:$0x5F40]  }
0x198: {  	v33 =	vld [tilespmem:$0xDC40]  }
0x199: {  	v34 =	vld [tilespmem:$0x5F50]  }
0x19a: {  	v35 =	vld [tilespmem:$0xDC50]  }
0x19b: {  	v36 =	vld [tilespmem:$0x5F60]  }
0x19c: {  	v37 =	vld [tilespmem:$0xDC60]  }
0x19d: {  	v38 =	vld [tilespmem:$0x5F70]  }
0x19e: {  	v39 =	vld [tilespmem:$0xDC70]  }
0x19f: {  	v40 =	vld [tilespmem:$0x5F80]  }
0x1a0: {  	v41 =	vld [tilespmem:$0xDC80]  }
0x1a1: {  	v42 =	vld [tilespmem:$0x5F90]  }
0x1a2: {  	v43 =	vld [tilespmem:$0xDC90]  }
0x1a3: {  	v44 =	vld [tilespmem:$0x5FA0]  }
0x1a4: {  	v45 =	vld [tilespmem:$0xDCA0]  }
0x1a5: {  	v46 =	vld [tilespmem:$0x5FB0]  }
0x1a6: {  	v47 =	vld [tilespmem:$0xDCB0]  }
0x1a7: {  	v48 =	vld [tilespmem:$0x5FC0]  }
0x1a8: {  	v49 =	vld [tilespmem:$0xDCC0]  }
0x1a9: {  	v50 =	vld [tilespmem:$0x5FD0]  }
0x1aa: {  	v51 =	vld [tilespmem:$0xDCD0]  }
0x1ab: {  	v52 =	vld [tilespmem:$0x5FE0]  }
0x1ac: {  	v53 =	vld [tilespmem:$0xDCE0]  }
0x1ad: {  	v54 =	vld [tilespmem:$0x5FF0]  }
0x1ae: {  	v55 =	vld [tilespmem:$0xDCF0]  }
0x1af: {  	v56 =	vld [tilespmem:$0x6000]  }
0x1b0: {  	v57 =	vld [tilespmem:$0xDD00]  }
0x1b1: {  	v58 =	vld [tilespmem:$0x6010]  }
0x1b2: {  	v62 =	vld [tilespmem:$0x6030]  }
0x1b3: {  	v59 =	vld [tilespmem:$0xDD10]  }
0x1b4: {  	v60 =	vld [tilespmem:$0x6020]  }
0x1b5: {  	v61 =	vld [tilespmem:$0xDD20]  }
0x1b6: {  	v63 =	vld [tilespmem:$0xDD30]  }
0x1b7: {  	[tilespmem:$0x1FAF0] =	vst v62;
	v62 =	vld [tilespmem:$0x6040]  }
0x1b8: {  	v0 =	vadd.f32 v1, v0;
	v1 =	vld [tilespmem:$0x6060]  }
0x1b9: {  	v2 =	vadd.f32 v3, v2;
	v3 =	vld [tilespmem:$0xDD60]  }
0x1ba: {  	v9 =	vadd.f32 v9, v8;
	v8 =	vld [tilespmem:$0x6090]  }
0x1bb: {  	v13 =	vadd.f32 v13, v12;
	v12 =	vld [tilespmem:$0x60B0]  }
0x1bc: {  	v15 =	vadd.f32 v15, v14;
	v14 =	vld [tilespmem:$0x60C0]  }
0x1bd: {  	v17 =	vadd.f32 v17, v16;
	v19 =	vadd.f32 v19, v18;
	v16 =	vld [tilespmem:$0x60D0]  }
0x1be: {  	v21 =	vadd.f32 v21, v20;
	v22 =	vadd.f32 v23, v22;
	v18 =	vld [tilespmem:$0x60E0];
	[tilespmem:$0x5E40] =	vst v0  }
0x1bf: {  	v23 =	vadd.f32 v25, v24;
	v25 =	vadd.f32 v29, v28;
	v20 =	vld [tilespmem:$0x60F0];
	[tilespmem:$0x5E50] =	vst v2  }
0x1c0: {  	v28 =	vadd.f32 v35, v34;
	v34 =	vadd.f32 v47, v46;
	v46 =	vld [tilespmem:$0xDE60];
	[tilespmem:$0x5E80] =	vst v9  }
0x1c1: {  	v24 =	vadd.f32 v27, v26;
	v35 =	vadd.f32 v49, v48;
	v49 =	vld [tilespmem:$0xDE70];
	[tilespmem:$0x5EA0] =	vst v13  }
0x1c2: {  	v29 =	vadd.f32 v37, v36;
	v36 =	vadd.f32 v51, v50;
	v51 =	vld [tilespmem:$0x6180];
	[tilespmem:$0x5EB0] =	vst v15  }
0x1c3: {  	v26 =	vadd.f32 v31, v30;
	v37 =	vadd.f32 v53, v52;
	v53 =	vld [tilespmem:$0xDE80];
	[tilespmem:$0x5EC0] =	vst v17  }
0x1c4: {  	v30 =	vadd.f32 v39, v38;
	v38 =	vadd.f32 v55, v54;
	v55 =	vld [tilespmem:$0x6190];
	[tilespmem:$0x5ED0] =	vst v19  }
0x1c5: {  	v39 =	vadd.f32 v57, v56;
	v57 =	vld [tilespmem:$0xDE90];
	[tilespmem:$0x5EE0] =	vst v21  }
0x1c6: {  	v31 =	vadd.f32 v41, v40;
	v40 =	vadd.f32 v59, v58;
	v59 =	vld [tilespmem:$0x61A0];
	[tilespmem:$0x5EF0] =	vst v22  }
0x1c7: {  	v41 =	vadd.f32 v61, v60;
	v61 =	vld [tilespmem:$0xDEA0];
	[tilespmem:$0x5F00] =	vst v23  }
0x1c8: {  	v27 =	vadd.f32 v33, v32;
	v32 =	vadd.f32 v43, v42;
	v42 =	vld [tilespmem:$0x1FAF0];
	[tilespmem:$0x5F10] =	vst v24  }
0x1c9: {  	v0 =	vadd.f32 v5, v4;
	v4 =	vld [tilespmem:$0x6070];
	[tilespmem:$0x5F20] =	vst v25  }
0x1ca: {  	v5 =	vld [tilespmem:$0xDD70];
	[tilespmem:$0x5F30] =	vst v26  }
0x1cb: {  	v2 =	vadd.f32 v7, v6;
	v6 =	vld [tilespmem:$0x6080];
	[tilespmem:$0x5F40] =	vst v27  }
0x1cc: {  	v7 =	vld [tilespmem:$0xDD80];
	[tilespmem:$0x5F50] =	vst v28  }
0x1cd: {  	v9 =	vld [tilespmem:$0xDD90];
	[tilespmem:$0x5F60] =	vst v29  }
0x1ce: {  	v13 =	vld [tilespmem:$0xDDB0];
	[tilespmem:$0x5F70] =	vst v30  }
0x1cf: {  	v33 =	vadd.f32 v45, v44;
	v15 =	vld [tilespmem:$0xDDC0];
	[tilespmem:$0x5F80] =	vst v31  }
0x1d0: {  	v17 =	vld [tilespmem:$0xDDD0];
	[tilespmem:$0x5F90] =	vst v32  }
0x1d1: {  	v19 =	vld [tilespmem:$0xDDE0];
	[tilespmem:$0x5FA0] =	vst v33  }
0x1d2: {  	v21 =	vld [tilespmem:$0xDDF0];
	[tilespmem:$0x5FB0] =	vst v34  }
0x1d3: {  	v22 =	vld [tilespmem:$0x6100];
	[tilespmem:$0x5FC0] =	vst v35  }
0x1d4: {  	v23 =	vld [tilespmem:$0xDE00];
	[tilespmem:$0x5FD0] =	vst v36  }
0x1d5: {  	v24 =	vld [tilespmem:$0x6110];
	[tilespmem:$0x5FE0] =	vst v37  }
0x1d6: {  	v25 =	vld [tilespmem:$0xDE10];
	[tilespmem:$0x5FF0] =	vst v38  }
0x1d7: {  	v26 =	vld [tilespmem:$0x6120];
	[tilespmem:$0x6000] =	vst v39  }
0x1d8: {  	v27 =	vld [tilespmem:$0xDE20];
	[tilespmem:$0x6010] =	vst v40  }
0x1d9: {  	v28 =	vld [tilespmem:$0x6130];
	[tilespmem:$0x6020] =	vst v41  }
0x1da: {  	v29 =	vld [tilespmem:$0xDE30];
	[tilespmem:$0x5E60] =	vst v0  }
0x1db: {  	v30 =	vld [tilespmem:$0x6140];
	[tilespmem:$0x5E70] =	vst v2;
	v2 =	vadd.f32 v11, v10  }
0x1dc: {  	v31 =	vld [tilespmem:$0xDE40];
	[tilespmem:$0x1FB00] =	vst v62;
	v47 =	vadd.f32 v3, v1  }
0x1dd: {  	v32 =	vld [tilespmem:$0x6150];
	[tilespmem:$0x5E90] =	vst v2;
	v2 =	vadd.f32 v63, v42  }
0x1de: {  	v33 =	vld [tilespmem:$0xDE50];
	v48 =	vadd.f32 v5, v4;
	[tilespmem:$0x6060] =	vst v47  }
0x1df: {  	v34 =	vld [tilespmem:$0x6160];
	v50 =	vadd.f32 v7, v6;
	[tilespmem:$0x6030] =	vst v2  }
0x1e0: {  	v37 =	vld [tilespmem:$0xDEC0];
	v52 =	vadd.f32 v9, v8;
	[tilespmem:$0x6070] =	vst v48  }
0x1e1: {  	v39 =	vld [tilespmem:$0x61D0];
	v56 =	vadd.f32 v13, v12;
	[tilespmem:$0x6080] =	vst v50  }
0x1e2: {  	v41 =	vld [tilespmem:$0x6210];
	v58 =	vadd.f32 v15, v14;
	[tilespmem:$0x6090] =	vst v52  }
0x1e3: {  	v10 =	vld [tilespmem:$0x60A0];
	v60 =	vadd.f32 v17, v16;
	[tilespmem:$0x60B0] =	vst v56  }
0x1e4: {  	v11 =	vld [tilespmem:$0xDDA0];
	v20 =	vadd.f32 v21, v20;
	[tilespmem:$0x60C0] =	vst v58  }
0x1e5: {  	v62 =	vld [tilespmem:$0xDD40];
	v22 =	vadd.f32 v23, v22;
	[tilespmem:$0x60D0] =	vst v60  }
0x1e6: {  	v1 =	vld [tilespmem:$0x6170];
	v36 =	vadd.f32 v25, v24;
	[tilespmem:$0x60F0] =	vst v20  }
0x1e7: {  	v43 =	vld [tilespmem:$0x1FB00];
	v38 =	vadd.f32 v27, v26;
	[tilespmem:$0x6100] =	vst v22  }
0x1e8: {  	v63 =	vld [tilespmem:$0x61B0];
	[tilespmem:$0x6110] =	vst v36  }
0x1e9: {  	v21 =	vld [tilespmem:$0xDEB0];
	v40 =	vadd.f32 v29, v28;
	[tilespmem:$0x6120] =	vst v38  }
0x1ea: {  	v23 =	vld [tilespmem:$0x61C0];
	v42 =	vadd.f32 v31, v30;
	[tilespmem:$0x1FB10] =	vst v62  }
0x1eb: {  	v46 =	vadd.f32 v46, v34;
	[tilespmem:$0x6130] =	vst v40;
	v44 =	vld [tilespmem:$0x1FB10]  }
0x1ec: {  	v54 =	vadd.f32 v11, v10;
	[tilespmem:$0x6140] =	vst v42;
	v62 =	vld [tilespmem:$0x6050]  }
0x1ed: {  	v47 =	vld [tilespmem:$0x61E0];
	[tilespmem:$0x6160] =	vst v46;
	v1 =	vadd.f32 v49, v1  }
0x1ee: {  	v56 =	vld [tilespmem:$0xDF00];
	v49 =	vadd.f32 v53, v51;
	[tilespmem:$0x60A0] =	vst v54  }
0x1ef: {  	v54 =	vld [tilespmem:$0x6200];
	[tilespmem:$0x6170] =	vst v1  }
0x1f0: {  	v53 =	vadd.f32 v57, v55;
	[tilespmem:$0x6180] =	vst v49;
	v0 =	vadd.f32 v44, v43;
	v43 =	vld [tilespmem:$0xDF10]  }
0x1f1: {  	v55 =	vadd.f32 v61, v59;
	[tilespmem:$0x1FB20] =	vst v62;
	v62 =	vld [tilespmem:$0xDD50]  }
0x1f2: {  	[tilespmem:$0x6190] =	vst v53;
	v57 =	vadd.f32 v21, v63;
	v45 =	vld [tilespmem:$0x1FB20]  }
0x1f3: {  	v48 =	vld [tilespmem:$0xDEE0];
	[tilespmem:$0x61A0] =	vst v55;
	v59 =	vadd.f32 v37, v23  }
0x1f4: {  	v50 =	vld [tilespmem:$0x61F0];
	[tilespmem:$0x61B0] =	vst v57  }
0x1f5: {  	v52 =	vld [tilespmem:$0xDEF0];
	[tilespmem:$0x61C0] =	vst v59;
	v51 =	vadd.f32 v43, v41  }
0x1f6: {  	v60 =	vld [tilespmem:$0xE0A8];
	v44 =	vadd.f32 v33, v32;
	[tilespmem:$0x6040] =	vst v0  }
0x1f7: {  	v1 =	vadd.f32 v56, v54;
	v2 =	vadd.f32 v62, v45;
	v45 =	vld [tilespmem:$0xDED0];
	[tilespmem:$0x6210] =	vst v51  }
0x1f8: {  	s20 =	sadd.s32 s6, s19;
	[tilespmem:$0x6150] =	vst v44;
	v58 =	vld [tilespmem:$0x6218]  }
0x1f9: {  	s20 =	smul.u32 $0x32, s20;
	[tilespmem:$0x6200] =	vst v1;
	v62 =	vadd.f32 v19, v18  }
0x1fa: {  	[tilespmem:$0x6050] =	vst v2;
	v2 =	vadd.f32 v48, v47  }
0x1fb: {  	s20 =	sadd.s32 s8, s20;
	[tilespmem:$0x60E0] =	vst v62;
	v62 =	vadd.f32 v52, v50  }
0x1fc: {  	s20 =	smul.u32 $0x3E8, s20;
	[tilespmem:$0x61E0] =	vst v2;
	v61 =	vadd.f32 v45, v39  }
0x1fd: {  	s19 =	sadd.s32 $0x1, s19;
	[tilespmem:$0x61F0] =	vst v62;
	v63 =	vadd.f32 v60, v58  }
0x1fe: {  	p0 =	sne.s32 s19, $0x4;
	s20 =	sshrl.u32 s20, $0x3;
	[tilespmem:$0x61D0] =	vst v61  }
.Ltmp1:
0x1ff: {  	s20 =	sadd.s32 s2, s20;
	[tilespmem:$0x6218] =	vst v63;
	(pc) =	sbr.rel @p0 .LBB2_2-.Ltmp1, $4  }
0x200: {  	[hbm4b:s20+s3] =	stream.linear.scatter [tilespmem:s16], [sflag:$0x2], $0x61A8, $0x38;
	[tilespmem:$0xE0B8] =	vst v63  }
0x201: {  	_ =	swait.ge [sflag:s17], $0x61A8  }
0x202: {  	[sflag:s17] =	ssyncset.done $0x0  }
0x203: {  	[sflag:s17] =	ssyncadd.s32 $0xFFFF9E58  }
0x204: {  	s18 =	sadd.s32 $0x1, s18  }
0x205: {  	p0 =	sne.s32 s18, s11  }
.Ltmp2:
0x206: {  	_ = 	snop;
	(pc) =	sbr.rel @p0 .LBB2_1-.Ltmp2, $1  }
0x207: {  	_ =	sdelay $0x3  }
0x208: {  	_ =	sfence.sel $0x180000  }
0x209: {  	[bflag:$0x0] =	sbarrier.arrive $0xFFFF  }
0x20a: {  	p0 =	sne.s32 s0, $0x0;
	_ =	strace $0x90000047  }
0x20b: {  	s0 =	sadd.s32 @!p0 $0x100000, s1;
	[bflag:$0x2] =	sbarrier.arrive $0xFFFF  }
0x20c: {  	[sflag:s0] =	ssyncadd.tile.s32 @!p0 $0x1;
	_ =	shalt  }
.Lfunc_end2:
_tile_overlayer_lowered:
.L_overlay_start_2:
0x20d: {  	(tag) =	ssettag $0x2  }
0x20e: {  	s0 =	rddreg [dreg:$0x0];
	s2 =	stileid.u32  }
0x20f: {  	s1 =	rddreg [dreg:$0x1];
	p0 =	sne.s32 s2, $0x0  }
0x210: {  	s3 =	rddreg [dreg:$0x2];
	[bflag:$0x3] =	sbarrier.arrive $0xFFFF;
	s2 =	simm.s32 @!p0 $0x1C03  }
0x211: {  	[timem:s3], [sflag:s2] =	dma.local @!p0 [hbm:s0], s1  }
0x212: {  	s0 =	simm.s32 @!p0 $0x3  }
0x213: {  	_ =	swait.ge @!p0 [sflag:s0], s1  }
0x214: {  	s1 =	ssub.s32 @!p0 $0x0, s1;
	[sflag:s0] =	ssyncset.done @!p0 $0x0  }
0x215: {  	[sflag:s0] =	ssyncadd.s32 @!p0 s1  }
0x216: {  	[bflag:$0x3] =	sbarrier.arrive $0xFFFF  }
0x217: {  	_ =	shalt  }

// kernel: sparse-core-data-format-call.cloned.1.call-start
scs
called_computation_lowered:
.L_overlay_start_0:
0x0: {  	s2 =	sld [smem:$0x3FD9]  }
0x1: {  	s3 =	sld [smem:$0x3FFE];
	_ =	sdelay $0x1  }
0x2: {  	s1 =	srdreg.scid  }
0x3: {  	s0 =	sand.u32 $0x1, s1  }
0x4: {  	s18 =	sshll.u32 s0, $0xA;
	s2 =	sadd.s32 s3, s2  }
0x5: {  	s2 =	sadd.s32 s2, s18  }
0x6: {  	[smem:$0x3FC3] =	sst s2  }
0x7: {  	_ = 	snop  }
0x8: {  	s2 =	sld [smem:$0x3FD0];
	(tm) =	ssettm $0x1  }
0x9: {  	s19 =	sld [smem:$0x3FFB];
	_ =	sdelay $0x3  }
0xa: {  	_ =	strace s19  }
0xb: {  	s3 =	sld [smem:$0x3FFC];
	_ =	sdelay $0x3  }
0xc: {  	_ =	strace s3  }
0xd: {  	s3 =	sld [smem:$0x3FFD];
	_ =	sdelay $0x3  }
0xe: {  	_ =	strace s3  }
0xf: {  	_ =	strace $0x8FFFFFFF  }
0x10: {  	s20 =	sld [smem:$0x3FDB];
	_ =	sdelay $0x1  }
0x11: {  	s4 =	simm.s32 $_scs_section_size  }
0x12: {  	s5 =	simm.s32 $_size__tile_overlayer_lowered;
	s6 =	simm.s32 $_tile_overlayer_lowered  }
0x13: {  	s23 =	simm.s32 $0x1BFF;
	s22 =	sshll.u32 s6, $0x1;
	s3 =	sadd.s32 s4, s20  }
0x14: {  	s7 =	simm.s32 $0x0;
	s21 =	sshll.u32 s5, $0x1;
	s5 =	sadd.s32 s22, s3  }
0x15: {  	[timem:s7], [sflag:s23] =	dma.local [hbm:s5], s21  }
0x16: {  	_ =	swait.ge [sflag:s23], s21  }
0x17: {  	s4 =	ssub.s32 $0x0, s21;
	[sflag:s23] =	ssyncset.done $0x0  }
0x18: {  	[sflag:s23] =	ssyncadd.s32 s4;
	_ =	sdelay $0x1  }
0x19: {  	s24 =	simm.s32 $0x1B8B  }
0x1a: {  	_ =	swait.ge [sflag:s24], $0x1  }
0x1b: {  	[sflag:s24] =	ssyncset.done $0x0  }
0x1c: {  	s26 =	simm.s32 $0x1B8E;
	s25 =	sld [smem:$0x3FFE];
	[sflag:s24] =	ssyncadd.s32 $0xFFFFFFFF  }
0x1d: {  	s27 =	simm.s32 $execute0_lowered;
	[smem:$0x3FD2] =	sst s26  }
0x1e: {  	s5 =	sshll.u32 s27, $0x1;
	_ =	strace $0x80000049;
	[dreg:$0x1] =	wrdreg $0xFFFFFFFF  }
0x1f: {  	s28 =	simm.s32 $_size_execute0_lowered;
	s3 =	sadd.s32 s3, s5;
	[dreg:$0x0] =	wrdreg $0x0  }
0x20: {  	s5 =	sshll.u32 s28, $0x1;
	[dreg:$0x2] =	wrdreg s3  }
0x21: {  	[dreg:$0x3] =	wrdreg s5  }
0x22: {  	[dreg:$0x4] =	wrdreg $0xC0  }
0x23: {  	_ =	task [dreg:s7], $0x5FFFF  }
0x24: {  	[dreg:$0x1] =	wrdreg $0xFFFFFFFF  }
0x25: {  	[dreg:$0x0] =	wrdreg $0x60  }
0x26: {  	[dreg:$0x2] =	wrdreg s25  }
0x27: {  	[dreg:$0x3] =	wrdreg s2  }
0x28: {  	[dreg:$0x4] =	wrdreg $0x9  }
0x29: {  	_ =	task.clear_ibuf [dreg:s7], $0x5FFFF;
	_ =	strace $0x90000049  }
0x2a: {  	s29 =	simm.s32 $0x9;
	_ =	strace $0x8000004B  }
0x2b: {  	_ =	swait.ge [sflag:s29], $0x1  }
0x2c: {  	[sflag:s29] =	ssyncadd.s32 $0xFFFFFFFF  }
0x2d: {  	_ =	strace $0x9000004B  }
0x2e: {  	_ =	sfence  }
0x2f: {  	s30 =	sld [smem:$0x0];
	_ =	sdelay $0x2  }
0x30: {  	s31 =	sshll.u32 s1, $0xD;
	s1 =	sshrl.u32 s1, $0x2  }
0x31: {  	s3 =	sand.u32 $0x4000, s31;
	s1 =	sadd.s32 s1, s30  }
0x32: {  	s0 =	sor.u32 s3, s0;
	s1 =	sshll.u32 s1, $0x11  }
0x33: {  	s0 =	sor.u32 s1, s0  }
0x34: {  	s0 =	sadd.s32 $0x8F2B, s0  }
0x35: {  	[sflag:s0] =	ssyncadd.remote.s32 $0x1  }
0x36: {  	_ =	sfence.sel $0xFFFF  }
0x37: {  	[dreg:$0x0] =	wrdreg $0xFFFFFFFF;
	(pc) =	sbr.abs _section_cstart, $3  }
0x38: {  	[dreg:$0x1] =	wrdreg $0xFFFFFFFF  }
0x39: {  	_ =	task.clear_ibuf [dreg:s7], $0x2FFFF;
	_ =	strace $0x9FFFFFFF  }
0x3a: {  	(tm) =	ssettm $0x7FFFFFFF  }
0x3b: {  	_ =	shalt  }
tec
execute0_lowered:
.L_overlay_start_1:
0x0: {  	(tag) =	ssettag $0x1  }
0x1: {  	s4 =	rddreg [dreg:$0x0]  }
0x2: {  	s0 =	stileid.u32;
	s2 =	rddreg [dreg:$0x1]  }
0x3: {  	s7 =	srdreg.scid;
	s31 =	simm.s32 $0x2;
	s17 =	simm.s32 $0x0  }
0x4: {  	s9 =	simm.s32 $0x2000;
	s19 =	simm.s32 $0x0;
	s18 =	simm.s32 $0x0  }
0x5: {  	s10 =	simm.s32 $0x0;
	s11 =	simm.s32 $0x0;
	s1 =	sshll.u32 s0, $0x7  }
0x6: {  	s12 =	simm.s32 $0x0;
	s14 =	simm.s32 $0x0;
	s3 =	sand.u32 $0x380, s1  }
0x7: {  	s16 =	simm.s32 $0x0;
	s4 =	sadd.s32 $0x661800, s4;
	s5 =	ssub.s32 $0x400, s3  }
0x8: {  	s8 =	sshll.u32 s0, $0x4;
	s7 =	sshll.u32 s7, $0x8;
	s6 =	sand.u32 $0x380, s5  }
0x9: {  	s1 =	rddreg [dreg:$0x2];
	p0 =	sne.s32 s6, $0x0;
	s6 =	simm.s32 $0x1  }
.Ltmp0:
0xa: {  	s5 =	sshrl.u32 s5, $0xA;
	s6 =	simm.s32 @!p0 $0x0;
	(pc) =	sbr.rel .LBB1_1-.Ltmp0, $4  }
0xb: {  	_ =	strace $0x8000004A;
	s7 =	sor.u32 s8, s7;
	s6 =	sadd.s32 s6, s5  }
0xc: {  	s7 =	sand.u32 $0x180, s7;
	s5 =	simm.s32 $0x1;
	s6 =	smul.u32 $0x64, s6  }
0xd: {  	s15 =	smov.u32 s3;
	s13 =	smov.u32 s7;
	[sflag:s5] =	ssyncpa.u1 $0x0  }
0xe: {  	p0 =	por $0x0, $0x0;
	[sflag:s31] =	ssyncpa.u1 $0x0;
	s8 =	sor.u32 $0x1, s6  }
.LBB1_4:
0xf: {  	s25 =	sshll.u32 s10, $0xA;
	s24 =	sshra.s32 s24, $0x2;
	s26 =	sshll.u32 s12, $0x3  }
0x10: {  	p1 =	sgt.s32 s11, $0x31;
	s27 =	smov.u32 s11;
	s28 =	sshra.s32 s11, $0x1F  }
0x11: {  	p2 =	sgt.s32 s12, $0x380;
	s31 =	sshra.s32 s12, $0x1F;
	s25 =	sand.u32 $0xFFFFE000, s25  }
0x12: {  	s26 =	sand.u32 $0xFFFFFC00, s26;
	s27 =	simm.s32 @!p1 $0x31;
	s28 =	sand.u32 s28, s11  }
0x13: {  	[tilespmem:s22+$0x2040 ss:$0x81] =	vst.msk $0xffff, v4;
	s23 =	sadd.s32 s24, s23;
	s29 =	sadd.s32 s26, s25;
	s25 =	ssub.s32 s27, s28  }
0x14: {  	[tilespmem:s22+$0x2850 ss:$0x81] =	vst.msk $0xffff, v3;
	s27 =	smov.u32 s12;
	s28 =	smov.u32 s10;
	s26 =	sand.u32 s31, s12  }
0x15: {  	[tilespmem:s22+$0x3060 ss:$0x81] =	vst.msk $0xffff, v2;
	s24 =	sshrl.u32 s29, $0xA;
	s30 =	sadd.s32 $0xFFFFFFCF, s25;
	s27 =	simm.s32 @!p2 $0x380  }
0x16: {  	v5 =	vld [tilespmem:s21+$0xFFFFFFD0];
	[tilespmem:s22+$0x0 ss:$0x81] =	vst.msk $0xffff, v1;
	p2 =	sgt.s32 s10, $0x368;
	s29 =	sshra.s32 s10, $0x1F;
	s22 =	ssub.s32 $0x32, s25  }
0x17: {  	v58 =	vld [tilespmem:s21+$0xFFFFFFE0];
	p1 =	sgt.s32 s30, $0x0;
	s28 =	simm.s32 @!p2 $0x368;
	s29 =	sand.u32 s29, s10  }
0x18: {  	v59 =	vld [tilespmem:s21+$0xFFFFFFF0];
	s26 =	ssub.s32 s27, s26;
	s27 =	smulhi.u32 $0x418938, s24;
	s28 =	ssub.s32 s28, s29  }
0x19: {  	v60 =	vld [tilespmem:s21+$0x0];
	s30 =	sadd.s32 $0xFFFFFC80, s26;
	s25 =	ssub.s32 $0x400, s26;
	s22 =	simm.s32 @p1 $0x0  }
0x1a: {  	v61 =	vld [tilespmem:s21+$0x10];
	[tilespmem:s23+$0x3870 ss:$0x81] =	vst.msk $0xffff, v0;
	s29 =	sand.u32 $0x78, s12;
	p2 =	sgt.s32 s30, $0x7F;
	s31 =	sadd.s32 $0xFFFFFC98, s28  }
0x1b: {  	v62 =	vld [tilespmem:s21+$0x20];
	[tilespmem:s23+$0x810 ss:$0x81] =	vst.msk $0xffff, v5;
	s27 =	smul.u32 $0x3E8, s27;
	s30 =	sshll.u32 s10, $0x7;
	s28 =	ssub.s32 $0x3E8, s28  }
0x1c: {  	v63 =	vld [tilespmem:s21+$0xFFFFFFC0];
	[tilespmem:s23+$0x1020 ss:$0x81] =	vst.msk $0xffff, v58;
	s25 =	simm.s32 @p2 $0x0;
	p1 =	sgt.s32 s31, $0x7F;
	s31 =	smul.u32 $0x1F400, s11  }
0x1d: {  	[tilespmem:s23+$0x1830 ss:$0x81] =	vst.msk $0xffff, v59;
	s21 =	sand.u32 $0x380, s30;
	s22 =	smul.u32 s25, s22;
	s28 =	simm.s32 @p1 $0x0  }
0x1e: {  	[tilespmem:s23+$0x2040 ss:$0x81] =	vst.msk $0xffff, v60;
	s21 =	sor.u32 s29, s21;
	s24 =	ssub.s32 s24, s27;
	s29 =	sand.u32 $0x7, s12  }
0x1f: {  	[tilespmem:s23+$0x2850 ss:$0x81] =	vst.msk $0xffff, v61;
	s21 =	sshrl.u32 s21, $0x3;
	s25 =	sadd.s32 s2, s31;
	s22 =	smul.u32 s28, s22  }
0x20: {  	[tilespmem:s23+$0x3060 ss:$0x81] =	vst.msk $0xffff, v62;
	s24 =	sshll.u32 s24, $0x7;
	s30 =	sshll.u32 s29, $0x12;
	s21 =	sadd.s32 s21, s25  }
0x21: {  	[tilespmem:s23+$0x0 ss:$0x81] =	vst.msk $0xffff, v63;
	s31 =	sor.u32 $0x400, s30;
	s21 =	sadd.s32 s24, s21;
	s22 =	sand.u32 $0x3FFFFFFF, s22  }
0x22: {  	[hbm4b:s21+s31] =	stream.strided.scatter [tilespmem:s20], [sflag:$0x2], s22, s9, s31, $0x20;
	[tilespmem:$0x10100] =	vst v63  }
.LBB1_5:
0x23: {  	p1 =	slt.u32 s16, $0x2  }
0x24: {  	p2 =	sgt.s32 @!p1 s19, $0x31  }
0x25: {  	s20 =	smov.u32 s19;
	s21 =	sshra.s32 @!p1 s19, $0x1F;
	p2 =	por !p2, p1  }
0x26: {  	s19 =	sand.u32 @!p1 s21, s19;
	s20 =	simm.s32 @p2 $0x31  }
0x27: {  	p3 =	sgt.s32 @!p1 s17, $0x368;
	s19 =	ssub.s32 @!p1 s20, s19  }
0x28: {  	p4 =	sgt.s32 @!p1 s18, $0x380;
	s22 =	sshra.s32 @!p1 s18, $0x1F;
	s20 =	sadd.s32 @!p1 $0xFFFFFFCF, s19  }
0x29: {  	s21 =	smov.u32 s17;
	p2 =	sgt.s32 @!p1 s20, $0x0;
	s20 =	sshra.s32 @!p1 s17, $0x1F  }
0x2a: {  	p4 =	por !p4, p1;
	s17 =	sand.u32 @!p1 s20, s17;
	s20 =	smov.u32 s18  }
0x2b: {  	p3 =	por !p3, p1;
	s18 =	sand.u32 @!p1 s22, s18;
	s20 =	simm.s32 @p4 $0x380  }
0x2c: {  	s21 =	simm.s32 @p3 $0x368;
	s19 =	ssub.s32 @!p1 $0x32, s19;
	s18 =	ssub.s32 @!p1 s20, s18  }
0x2d: {  	p2 =	por !p2, p1;
	s17 =	ssub.s32 @!p1 s21, s17;
	s21 =	sadd.s32 @!p1 $0xFFFFFC80, s18  }
0x2e: {  	s19 =	simm.s32 @!p2 $0x0;
	p3 =	sgt.s32 @!p1 s21, $0x7F  }
0x2f: {  	s20 =	sadd.s32 @!p1 $0xFFFFFC98, s17;
	s18 =	ssub.s32 @!p1 $0x400, s18;
	p3 =	por !p3, p1  }
0x30: {  	p2 =	sgt.s32 @!p1 s20, $0x7F;
	s20 =	sadd.s32 $0x200, s13;
	s18 =	simm.s32 @!p3 $0x0  }
0x31: {  	p3 =	sgt.s32 s20, $0x3E7;
	s18 =	smul.u32 @!p1 s18, s19;
	s19 =	simm.s32 $0x1  }
0x32: {  	s17 =	ssub.s32 @!p1 $0x3E8, s17;
	p2 =	por !p2, p1;
	s19 =	simm.s32 @!p3 $0x0  }
0x33: {  	s22 =	smov.u32 s15;
	s17 =	simm.s32 @!p2 $0x0;
	s21 =	sadd.s32 s19, s14  }
0x34: {  	s17 =	smul.u32 @!p1 s17, s18;
	s18 =	sadd.s32 $0x400, s15;
	p2 =	sgt.s32 s21, $0x31  }
0x35: {  	p0 =	por !p0, !p0;
	s23 =	simm.s32 @!p1 $0x2;
	s22 =	smov.u32 @p2 s18  }
0x36: {  	s20 =	smov.u32 @p3 s7;
	s21 =	simm.s32 @p2 $0x0;
	p2 =	sgt.s32 s22, $0x3FF  }
0x37: {  	s19 =	smov.u32 s11;
	s22 =	smov.u32 @p2 s3;
	p2 =	sne.s32 s16, s8  }
.Ltmp1:
0x38: {  	s11 =	smov.u32 s14;
	s17 =	sand.u32 @!p1 $0x3FFFFFFF, s17;
	(pc) =	sbr.rel @!p2 .LBB1_6-.Ltmp1, $4  }
0x39: {  	s18 =	smov.u32 s12;
	s12 =	smov.u32 s15;
	_ =	swait.ge @!p1 [sflag:s23], s17  }
0x3a: {  	s24 =	ssub.s32 @!p1 $0x0, s17;
	s17 =	smov.u32 s10;
	s10 =	smov.u32 s13  }
0x3b: {  	s13 =	smov.u32 s20;
	s14 =	smov.u32 s21;
	[sflag:s23] =	ssyncset.done @!p1 $0x0  }
0x3c: {  	s16 =	sadd.s32 $0x1, s16;
	[sflag:s23] =	ssyncadd.s32 @!p1 s24;
	s15 =	smov.u32 s22  }
.LBB1_1:
0x3d: {  	p1 =	sge.u32 s16, s6  }
0x3e: {  	s20 =	sshll.u32 @!p1 s14, $0xA  }
0x3f: {  	s21 =	sshll.u32 @!p1 s13, $0x3;
	s20 =	sand.u32 @!p1 $0xFFFFE000, s20  }
0x40: {  	s20 =	sadd.s32 @!p1 s20, s21  }
0x41: {  	s20 =	sshrl.u32 @!p1 s20, $0xA  }
0x42: {  	s21 =	smulhi.u32 @!p1 $0x4924925, s20  }
0x43: {  	s22 =	sshll.u32 @!p1 s14, $0x7;
	s24 =	smul.u32 @!p1 $0x1C00, s15  }
0x44: {  	s23 =	sand.u32 @!p1 $0x78, s13;
	s22 =	sand.u32 @!p1 $0x380, s22;
	s21 =	smul.u32 @!p1 $0x38, s21  }
0x45: {  	s31 =	sadd.s32 $0xFFFFFFFF, s16;
	s22 =	sor.u32 @!p1 s23, s22;
	s23 =	sadd.s32 @!p1 s4, s24  }
0x46: {  	s22 =	sshrl.u32 @!p1 s22, $0x3;
	s20 =	ssub.s32 @!p1 s20, s21;
	s21 =	sxor.u32 @!p1 $0xFFFFFFFF, s16  }
0x47: {  	s22 =	sadd.s32 @!p1 s22, s23;
	s23 =	sand.u32 @!p1 $0x7, s13;
	s21 =	sshll.u32 @!p1 s21, $0xE  }
0x48: {  	s23 =	sshll.u32 @!p1 s23, $0x12;
	s20 =	sshll.u32 @!p1 s20, $0x7;
	s21 =	sand.u32 @!p1 $0x4000, s21  }
0x49: {  	s20 =	sadd.s32 @!p1 s20, s22;
	s22 =	sor.u32 @!p1 $0x80, s23;
	s23 =	simm.s32 @!p1 $0xE000  }
0x4a: {  	[tilespmem:s21], [sflag:$0x1] =	stream.strided.gather @!p1 [hbm4b:s20+s22], $0x4000, s23, s22, $0x38;
	[tilespmem:$0x10100] =	vst v63  }
0x4b: {  	p1 =	sge.u32 s31, s6  }
.Ltmp2:
0x4c: {  	_ = 	snop;
	(pc) =	sbr.rel @p1 .LBB1_5-.Ltmp2, $1  }
0x4d: {  	_ =	sdelay $0x3  }
0x4e: {  	s20 =	simm.s32 $0x1  }
0x4f: {  	_ =	swait.ge [sflag:s5], $0x4000;
	s20 =	simm.s32 @!p0 $0x0  }
0x50: {  	[sflag:s5] =	ssyncset.done $0x0;
	s21 =	sshll.u32 s20, $0xE  }
0x51: {  	[sflag:s5] =	ssyncadd.s32 $0xFFFFC000;
	s21 =	sor.u32 $0x40, s21  }
0x52: {  	s20 =	smul.u32 $0x10200, s20;
	v0 =	vld [tilespmem:s21+$0x30]  }
0x53: {  	v1 =	vld [tilespmem:s21+$0xFFFFFFD0]  }
0x54: {  	s20 =	sshrl.u32 s20, $0x2;
	v5 =	vld [tilespmem:s21+$0xFFFFFFE0]  }
0x55: {  	v6 =	vld [tilespmem:s21+$0xFFFFFFF0];
	s23 =	sor.u32 $0x8000, s20  }
0x56: {  	s31 =	sand.u32 $0x1, s16;
	v4 =	vld [tilespmem:s21+$0x0];
	s22 =	sadd.s32 $0x0, s23  }
0x57: {  	v3 =	vld [tilespmem:s21+$0x10];
	s20 =	smul.u32 $0x10200, s31;
	[tilespmem:s22+$0x3870 ss:$0x81] =	vst.msk $0xffff, v0  }
0x58: {  	v2 =	vld [tilespmem:s21+$0x20];
	[tilespmem:s22+$0x810 ss:$0x81] =	vst.msk $0xffff, v1  }
0x59: {  	s20 =	sshrl.u32 s20, $0x2;
	v1 =	vld [tilespmem:s21+$0xFFFFFFC0];
	[tilespmem:s22+$0x1020 ss:$0x81] =	vst.msk $0xffff, v5;
	s21 =	sadd.s32 $0x80, s21  }
0x5a: {  	s24 =	simm.s32 $0x4;
	s25 =	simm.s32 $0x8;
	s20 =	sor.u32 $0x8000, s20;
	[tilespmem:s22+$0x1830 ss:$0x81] =	vst.msk $0xffff, v6;
	v0 =	vld [tilespmem:s21+$0x30]  }
.LBB1_3:
0x5b: {  	p1 =	sne.s32 s25, $0x1FC;
	v5 =	vld [tilespmem:s21+$0xFFFFFFD0];
	[tilespmem:s22+$0x2040 ss:$0x81] =	vst.msk $0xffff, v4  }
0x5c: {  	v6 =	vld [tilespmem:s21+$0xFFFFFFE0];
	[tilespmem:s22+$0x2850 ss:$0x81] =	vst.msk $0xffff, v3  }
0x5d: {  	s26 =	sshra.s32 s24, $0x2;
	s24 =	smov.u32 s25;
	v7 =	vld [tilespmem:s21+$0xFFFFFFF0];
	[tilespmem:s22+$0x3060 ss:$0x81] =	vst.msk $0xffff, v2  }
.Ltmp3:
0x5e: {  	v4 =	vld [tilespmem:s21+$0x0];
	[tilespmem:s22+$0x0 ss:$0x81] =	vst.msk $0xffff, v1;
	s22 =	sadd.s32 s26, s23;
	(pc) =	sbr.rel @p1 .LBB1_3-.Ltmp3, $4  }
0x5f: {  	v3 =	vld [tilespmem:s21+$0x10];
	[tilespmem:s22+$0x3870 ss:$0x81] =	vst.msk $0xffff, v0  }
0x60: {  	[tilespmem:s22+$0x810 ss:$0x81] =	vst.msk $0xffff, v5;
	v2 =	vld [tilespmem:s21+$0x20]  }
0x61: {  	v1 =	vld [tilespmem:s21+$0xFFFFFFC0];
	[tilespmem:s22+$0x1020 ss:$0x81] =	vst.msk $0xffff, v6;
	s21 =	sadd.s32 $0x80, s21  }
0x62: {  	s25 =	sadd.s32 $0x4, s25;
	v0 =	vld [tilespmem:s21+$0x30];
	[tilespmem:s22+$0x1830 ss:$0x81] =	vst.msk $0xffff, v7  }
.Ltmp4:
0x63: {  	_ = 	snop;
	(pc) =	sbr.rel .LBB1_4-.Ltmp4, $1  }
0x64: {  	_ =	sdelay $0x3  }
.LBB1_6:
0x65: {  	_ =	sfence.sel $0x180000  }
0x66: {  	s2 =	simm.s32 $0x1;
	[bflag:$0x0] =	sbarrier.arrive $0xFFFF  }
0x67: {  	s31 =	simm.s32 $0x2;
	[sflag:s2] =	ssyncpa.u1 $0x1  }
0x68: {  	[sflag:s31] =	ssyncpa.u1 $0x1  }
0x69: {  	p0 =	sne.s32 s0, $0x0;
	_ =	strace $0x9000004A  }
0x6a: {  	s0 =	sadd.s32 @!p0 $0x100000, s1;
	[bflag:$0x2] =	sbarrier.arrive $0xFFFF  }
0x6b: {  	[sflag:s0] =	ssyncadd.tile.s32 @!p0 $0x1;
	_ =	shalt  }
.Lfunc_end1:
_tile_overlayer_lowered:
.L_overlay_start_2:
0x6c: {  	(tag) =	ssettag $0x2  }
0x6d: {  	s0 =	rddreg [dreg:$0x0];
	s2 =	stileid.u32  }
0x6e: {  	s1 =	rddreg [dreg:$0x1];
	p0 =	sne.s32 s2, $0x0  }
0x6f: {  	s3 =	rddreg [dreg:$0x2];
	[bflag:$0x3] =	sbarrier.arrive $0xFFFF;
	s2 =	simm.s32 @!p0 $0x1C01  }
0x70: {  	[timem:s3], [sflag:s2] =	dma.local @!p0 [hbm:s0], s1  }
0x71: {  	s0 =	simm.s32 @!p0 $0x1  }
0x72: {  	_ =	swait.ge @!p0 [sflag:s0], s1  }
0x73: {  	s1 =	ssub.s32 @!p0 $0x0, s1;
	[sflag:s0] =	ssyncset.done @!p0 $0x0  }
0x74: {  	[sflag:s0] =	ssyncadd.s32 @!p0 s1  }
0x75: {  	[bflag:$0x3] =	sbarrier.arrive $0xFFFF  }
0x76: {  	_ =	shalt  }

</sc_bundles>
